<compile_context>
chip_gen: v7x
topology: tpu7x:2x2x1
jax: 0.10.2.dev20260603
libtpu: 0.0.44.dev20260713+nightly
codegen_flags: <defaults>
</compile_context>

<pallas_src>
import functools

import jax
import jax.numpy as jnp
from jax import lax
from jax.experimental import pallas as pl
from jax.experimental.pallas import tpu as pltpu
from jax.experimental.pallas import tpu_sc as plsc

NUM_EMB = 100000
EMB_DIM = 64
BATCH = 16384
HIDDEN = 64

NC = 2
NS = 16
NW = NC * NS
IDX_W = 128
ROWS_PER_W = BATCH // (NW * IDX_W)

TBLK = 8192


def _build_body(emt_ref, edt_ref, eye_ref, out_ref):
    dims = (((0,), (0,)), ((), ()))
    tm = jax.lax.dot_general(emt_ref[...], eye_ref[...], dims,
                             preferred_element_type=jnp.float32)
    td = jax.lax.dot_general(edt_ref[...], eye_ref[...], dims,
                             preferred_element_type=jnp.float32)
    out_ref[...] = jnp.concatenate([tm, td], axis=-1)


def _tc_build_table(EmT, EdT):
    grid = ((NUM_EMB + TBLK - 1) // TBLK,)
    return pl.pallas_call(
        _build_body,
        grid=grid,
        in_specs=[
            pl.BlockSpec((EMB_DIM, TBLK), lambda i: (0, i)),
            pl.BlockSpec((EMB_DIM, TBLK), lambda i: (0, i)),
            pl.BlockSpec((EMB_DIM, EMB_DIM), lambda i: (0, 0)),
        ],
        out_specs=pl.BlockSpec((TBLK, 2 * EMB_DIM), lambda i: (i, 0)),
        out_shape=jax.ShapeDtypeStruct((NUM_EMB, 2 * EMB_DIM), jnp.float32),
    )(EmT, EdT, jnp.eye(EMB_DIM, dtype=jnp.float32))


def _sc_compose(sim_data, m_idx, d_idx):
    mesh = plsc.VectorSubcoreMesh(core_axis_name="c", subcore_axis_name="s")
    out_sh = jax.ShapeDtypeStruct((NW, ROWS_PER_W, IDX_W), jnp.int32)

    @functools.partial(
        pl.kernel,
        mesh=mesh,
        out_type=[out_sh, out_sh],
        scratch_types=[
            pltpu.VMEM((ROWS_PER_W, IDX_W), jnp.int32),
            pltpu.VMEM((ROWS_PER_W, IDX_W), jnp.int32),
            pltpu.VMEM((ROWS_PER_W, IDX_W), jnp.int32),
            pltpu.VMEM((ROWS_PER_W, IDX_W), jnp.int32),
            pltpu.SemaphoreType.DMA,
        ],
    )
    def compose_kernel(sim_hbm, midx_hbm, didx_hbm, outm_hbm, outd_hbm,
                       mi_v, di_v, sm_v, sd_v, sem):
        wid = lax.axis_index("s") * NC + lax.axis_index("c")
        pltpu.sync_copy(midx_hbm.at[wid], mi_v)
        pltpu.sync_copy(didx_hbm.at[wid], di_v)
        copies = []
        for j in range(ROWS_PER_W):
            copies.append(
                pltpu.async_copy(sim_hbm.at[mi_v.at[j]], sm_v.at[j], sem))
            copies.append(
                pltpu.async_copy(sim_hbm.at[di_v.at[j]], sd_v.at[j], sem))
        for c in copies:
            c.wait()
        pltpu.sync_copy(sm_v, outm_hbm.at[wid])
        pltpu.sync_copy(sd_v, outd_hbm.at[wid])

    return compose_kernel(sim_data, m_idx, d_idx)


def _sc_row_gather(table, sm, sd, base, nrows):
    mesh = plsc.VectorSubcoreMesh(core_axis_name="c", subcore_axis_name="s")
    out_sh = jax.ShapeDtypeStruct(
        (NW, nrows, IDX_W, 2 * EMB_DIM), jnp.float32)

    @functools.partial(
        pl.kernel,
        mesh=mesh,
        out_type=[out_sh, out_sh],
        scratch_types=[
            pltpu.VMEM((nrows, IDX_W), jnp.int32),
            pltpu.VMEM((nrows, IDX_W), jnp.int32),
            pltpu.VMEM((nrows, IDX_W, 2 * EMB_DIM), jnp.float32),
            pltpu.SemaphoreType.DMA,
        ],
    )
    def gather_kernel(table_hbm, sm_hbm, sd_hbm, outm_hbm, outd_hbm,
                      sm_v, sd_v, rows_v, sem):
        wid = lax.axis_index("s") * NC + lax.axis_index("c")
        pltpu.sync_copy(sm_hbm.at[wid, pl.ds(base, nrows)], sm_v)
        pltpu.sync_copy(sd_hbm.at[wid, pl.ds(base, nrows)], sd_v)
        copies = [pltpu.async_copy(table_hbm.at[sm_v.at[j]], rows_v.at[j],
                                   sem)
                  for j in range(nrows)]
        for c in copies:
            c.wait()
        pltpu.sync_copy(rows_v, outm_hbm.at[wid])
        copies = [pltpu.async_copy(table_hbm.at[sd_v.at[j]], rows_v.at[j],
                                   sem)
                  for j in range(nrows)]
        for c in copies:
            c.wait()
        pltpu.sync_copy(rows_v, outd_hbm.at[wid])

    return gather_kernel(table, sm, sd)


def _mlp_body(m_ref, d_ref, w1m_ref, w1d_ref, b1_ref, w2_ref, b2_ref,
              out_ref):
    h = jnp.dot(m_ref[...], w1m_ref[...], preferred_element_type=jnp.float32)
    h = h + jnp.dot(d_ref[...], w1d_ref[...],
                    preferred_element_type=jnp.float32)
    h = jax.nn.relu(h + b1_ref[...])
    z = jnp.dot(h, w2_ref[...], preferred_element_type=jnp.float32)
    res = jax.nn.sigmoid(z + b2_ref[...])
    out_ref[...] = res.reshape(out_ref.shape)


def _tc_mlp(gm, gd, W1m, W1d, b1, W2, b2):
    n = gm.shape[0]
    blk = 4096
    grid = (n // blk,)
    return pl.pallas_call(
        _mlp_body,
        grid=grid,
        in_specs=[
            pl.BlockSpec((blk, 2 * EMB_DIM), lambda i: (i, 0)),
            pl.BlockSpec((blk, 2 * EMB_DIM), lambda i: (i, 0)),
            pl.BlockSpec((2 * EMB_DIM, HIDDEN), lambda i: (0, 0)),
            pl.BlockSpec((2 * EMB_DIM, HIDDEN), lambda i: (0, 0)),
            pl.BlockSpec((1, HIDDEN), lambda i: (0, 0)),
            pl.BlockSpec((HIDDEN, 1), lambda i: (0, 0)),
            pl.BlockSpec((1, 1), lambda i: (0, 0)),
        ],
        out_specs=pl.BlockSpec((blk // IDX_W, IDX_W), lambda i: (i, 0)),
        out_shape=jax.ShapeDtypeStruct((n // IDX_W, IDX_W), jnp.float32),
    )(gm, gd, W1m, W1d, b1, W2, b2)


def kernel(sim_data, train_data, Em_table, Ed_table, W1, b1, W2, b2):
    m_idx = train_data[:, 0].reshape(NW, ROWS_PER_W, IDX_W)
    d_idx = train_data[:, 1].reshape(NW, ROWS_PER_W, IDX_W)
    table = _tc_build_table(Em_table.T, Ed_table.T)
    sm, sd = _sc_compose(sim_data, m_idx, d_idx)
    gm, gd = _sc_row_gather(table, sm, sd, 0, ROWS_PER_W)
    gm = gm.reshape(BATCH, 2 * EMB_DIM)
    gd = gd.reshape(BATCH, 2 * EMB_DIM)
    zeros = jnp.zeros((EMB_DIM, HIDDEN), jnp.float32)
    W1m = jnp.concatenate([W1[:EMB_DIM], zeros], axis=0)
    W1d = jnp.concatenate([zeros, W1[EMB_DIM:]], axis=0)
    out = _tc_mlp(gm, gd, W1m, W1d, b1.reshape(1, HIDDEN), W2,
                  b2.reshape(1, 1))
    return out.reshape(BATCH)

# --- scband reference (transcript-rebuilt; emitter-appended) ---
"""Pipeline reference for scband-amhmda-17755394802310 (READ-ONLY COPY).

The authoritative reference and input builder live on the scoring server;
editing this copy changes nothing except your own understanding.
"""

import jax, jax.numpy as jnp
import numpy as np

NUM_EMB = 100000
EMB_DIM = 64
BATCH = 16384
HIDDEN = 64


def setup_inputs(seed: int = 0) -> dict:
    key = jax.random.key(seed)
    k1, k2, k3, k4, k5, k6, k7, k8 = jax.random.split(key, 8)
    sim_data = jax.random.randint(k1, (NUM_EMB,), 0, NUM_EMB, dtype=jnp.int64 if jax.config.jax_enable_x64 else jnp.int32).astype(jnp.int32)
    train_data = jax.random.randint(k2, (BATCH, 2), 0, NUM_EMB).astype(jnp.int32)
    Em_table = jax.random.normal(k3, (NUM_EMB, EMB_DIM), dtype=jnp.float32) * 0.02
    Ed_table = jax.random.normal(k4, (NUM_EMB, EMB_DIM), dtype=jnp.float32) * 0.02
    W1 = jax.random.normal(k5, (2 * EMB_DIM, HIDDEN), dtype=jnp.float32) * 0.05
    b1 = jnp.zeros((HIDDEN,), dtype=jnp.float32)
    W2 = jax.random.normal(k6, (HIDDEN, 1), dtype=jnp.float32) * 0.05
    b2 = jnp.zeros((1,), dtype=jnp.float32)
    return {"sim_data": sim_data, "train_data": train_data, "Em_table": Em_table, "Ed_table": Ed_table, "W1": W1, "b1": b1, "W2": W2, "b2": b2}


def reference(sim_data, train_data, Em_table, Ed_table, W1, b1, W2, b2):
    # Xm(sim_data), Xd(sim_data): embedding lookups
    Em = jnp.take(Em_table, sim_data, axis=0)
    Ed = jnp.take(Ed_table, sim_data, axis=0)
    # pro_data: gather rows of Em/Ed by edge endpoints
    edgeData = train_data.T
    m_index = edgeData[0]
    d_index = edgeData[1]
    mFea = jnp.take(Em, m_index, axis=0)
    dFea = jnp.take(Ed, d_index, axis=0)
    # md_supernode: MLP scorer over concatenated pair features
    h = jnp.concatenate([mFea, dFea], axis=-1)
    h = jax.nn.relu(h @ W1 + b1)
    pre_asso = jax.nn.sigmoid(h @ W2 + b2)[:, 0]
    return pre_asso

if __name__ == "__main__":
    import jax
    _d = setup_inputs()
    print(jax.jit(kernel)(*tuple(_d.values())))

</pallas_src>

<mosaic_0001>
#map = affine_map<(d0, d1) -> (0, 0)>
#map1 = affine_map<(d0, d1) -> (0, 0, 0)>
#map2 = affine_map<(d0, d1) -> (0, 0, 0, 0)>
module attributes {stable_mosaic.version = 14 : i64} {
  func.func @gather_kernel(%arg0: i32, %arg1: i32, %arg2: memref<100000x128xf32, #tpu.memory_space<hbm>>, %arg3: memref<32x4x128xi32, #tpu.memory_space<hbm>>, %arg4: memref<32x4x128xi32, #tpu.memory_space<hbm>>, %arg5: memref<32x4x128x128xf32, #tpu.memory_space<hbm>>, %arg6: memref<32x4x128x128xf32, #tpu.memory_space<hbm>>, %arg7: memref<4x128xi32, #tpu.memory_space<vmem>>, %arg8: memref<4x128xi32, #tpu.memory_space<vmem>>, %arg9: memref<4x128x128xf32, #tpu.memory_space<vmem>>, %arg10: memref<!tpu.dma_semaphore, #tpu.memory_space<semaphore_mem>>) attributes {dimension_semantics = [#tpu.dimension_semantics<core_parallel>, #tpu.dimension_semantics<subcore_parallel>], iteration_bounds = array<i64: 2, 16>, scalar_prefetch = 0 : i64, scratch_operands = 4 : i64, tpu.core_type = #tpu.core_type<sc_vector_subcore>, window_params = [{transform_indices = #map}, {transform_indices = #map1}, {transform_indices = #map1}, {transform_indices = #map2}, {transform_indices = #map2}]} {
    %mul3A = arith.constant 2 : i32
    %mul3A_0 = arith.muli %arg1, %mul3A : i32
    %add3A = arith.addi %mul3A_0, %arg0 : i32
    "tpu.region"() ({
      %run_scoped3A = tpu.sem_alloc : memref<!tpu.dma_semaphore, #tpu.memory_space<semaphore_mem>>
      %dma_start3A_191 = arith.constant 0 : i32
      %dma_start3A_192 = arith.constant 0 : i32
      %dma_start3A_193 = tpu.memref_slice %arg3[%add3A, %dma_start3A_191, %dma_start3A_192] : memref<32x4x128xi32, #tpu.memory_space<hbm>> -> memref<1x4x128xi32, #tpu.memory_space<hbm>>
      %dma_start3A_194 = tpu.memref_squeeze %dma_start3A_193 : memref<1x4x128xi32, #tpu.memory_space<hbm>> -> memref<4x128xi32, #tpu.memory_space<hbm>>
      %dma_start3A_195 = arith.constant 0 : i32
      %dma_start3A_196 = arith.constant 0 : i32
      %dma_start3A_197 = tpu.memref_slice %arg3[%add3A, %dma_start3A_195, %dma_start3A_196] : memref<32x4x128xi32, #tpu.memory_space<hbm>> -> memref<1x4x128xi32, #tpu.memory_space<hbm>>
      %dma_start3A_198 = tpu.memref_squeeze %dma_start3A_197 : memref<1x4x128xi32, #tpu.memory_space<hbm>> -> memref<4x128xi32, #tpu.memory_space<hbm>>
      tpu.enqueue_dma source(%dma_start3A_198 : memref<4x128xi32, #tpu.memory_space<hbm>>) target(%arg7 : memref<4x128xi32, #tpu.memory_space<vmem>>) target_semaphore(%run_scoped3A : memref<!tpu.dma_semaphore, #tpu.memory_space<semaphore_mem>>)
      %dma_wait3A_199 = arith.constant 0 : i32
      %dma_wait3A_200 = arith.constant 0 : i32
      %dma_wait3A_201 = tpu.memref_slice %arg3[%add3A, %dma_wait3A_199, %dma_wait3A_200] : memref<32x4x128xi32, #tpu.memory_space<hbm>> -> memref<1x4x128xi32, #tpu.memory_space<hbm>>
      %dma_wait3A_202 = tpu.memref_squeeze %dma_wait3A_201 : memref<1x4x128xi32, #tpu.memory_space<hbm>> -> memref<4x128xi32, #tpu.memory_space<hbm>>
      %dma_wait3A_203 = arith.constant 0 : i32
      %dma_wait3A_204 = arith.constant 0 : i32
      %dma_wait3A_205 = tpu.memref_slice %arg3[%add3A, %dma_wait3A_203, %dma_wait3A_204] : memref<32x4x128xi32, #tpu.memory_space<hbm>> -> memref<1x4x128xi32, #tpu.memory_space<hbm>>
      %dma_wait3A_206 = tpu.memref_squeeze %dma_wait3A_205 : memref<1x4x128xi32, #tpu.memory_space<hbm>> -> memref<4x128xi32, #tpu.memory_space<hbm>>
      tpu.wait_dma2 semaphore(%run_scoped3A : memref<!tpu.dma_semaphore, #tpu.memory_space<semaphore_mem>>) src(%dma_wait3A_206 : memref<4x128xi32, #tpu.memory_space<hbm>>) dst(%arg7 : memref<4x128xi32, #tpu.memory_space<vmem>>)
      tpu.yield
    }) : () -> ()
    "tpu.region"() ({
      %run_scoped3A = tpu.sem_alloc : memref<!tpu.dma_semaphore, #tpu.memory_space<semaphore_mem>>
      %dma_start3A_191 = arith.constant 0 : i32
      %dma_start3A_192 = arith.constant 0 : i32
      %dma_start3A_193 = tpu.memref_slice %arg4[%add3A, %dma_start3A_191, %dma_start3A_192] : memref<32x4x128xi32, #tpu.memory_space<hbm>> -> memref<1x4x128xi32, #tpu.memory_space<hbm>>
      %dma_start3A_194 = tpu.memref_squeeze %dma_start3A_193 : memref<1x4x128xi32, #tpu.memory_space<hbm>> -> memref<4x128xi32, #tpu.memory_space<hbm>>
      %dma_start3A_195 = arith.constant 0 : i32
      %dma_start3A_196 = arith.constant 0 : i32
      %dma_start3A_197 = tpu.memref_slice %arg4[%add3A, %dma_start3A_195, %dma_start3A_196] : memref<32x4x128xi32, #tpu.memory_space<hbm>> -> memref<1x4x128xi32, #tpu.memory_space<hbm>>
      %dma_start3A_198 = tpu.memref_squeeze %dma_start3A_197 : memref<1x4x128xi32, #tpu.memory_space<hbm>> -> memref<4x128xi32, #tpu.memory_space<hbm>>
      tpu.enqueue_dma source(%dma_start3A_198 : memref<4x128xi32, #tpu.memory_space<hbm>>) target(%arg8 : memref<4x128xi32, #tpu.memory_space<vmem>>) target_semaphore(%run_scoped3A : memref<!tpu.dma_semaphore, #tpu.memory_space<semaphore_mem>>)
      %dma_wait3A_199 = arith.constant 0 : i32
      %dma_wait3A_200 = arith.constant 0 : i32
      %dma_wait3A_201 = tpu.memref_slice %arg4[%add3A, %dma_wait3A_199, %dma_wait3A_200] : memref<32x4x128xi32, #tpu.memory_space<hbm>> -> memref<1x4x128xi32, #tpu.memory_space<hbm>>
      %dma_wait3A_202 = tpu.memref_squeeze %dma_wait3A_201 : memref<1x4x128xi32, #tpu.memory_space<hbm>> -> memref<4x128xi32, #tpu.memory_space<hbm>>
      %dma_wait3A_203 = arith.constant 0 : i32
      %dma_wait3A_204 = arith.constant 0 : i32
      %dma_wait3A_205 = tpu.memref_slice %arg4[%add3A, %dma_wait3A_203, %dma_wait3A_204] : memref<32x4x128xi32, #tpu.memory_space<hbm>> -> memref<1x4x128xi32, #tpu.memory_space<hbm>>
      %dma_wait3A_206 = tpu.memref_squeeze %dma_wait3A_205 : memref<1x4x128xi32, #tpu.memory_space<hbm>> -> memref<4x128xi32, #tpu.memory_space<hbm>>
      tpu.wait_dma2 semaphore(%run_scoped3A : memref<!tpu.dma_semaphore, #tpu.memory_space<semaphore_mem>>) src(%dma_wait3A_206 : memref<4x128xi32, #tpu.memory_space<hbm>>) dst(%arg8 : memref<4x128xi32, #tpu.memory_space<vmem>>)
      tpu.yield
    }) : () -> ()
    %dma_start3A = arith.constant 0 : i32
    %dma_start3A_1 = arith.constant 0 : i32
    %dma_start3A_2 = arith.constant 0 : i32
    %dma_start3A_3 = arith.constant 0 : i32
    %dma_start3A_4 = tpu.memref_slice %arg9[%dma_start3A_1, %dma_start3A_2, %dma_start3A_3] : memref<4x128x128xf32, #tpu.memory_space<vmem>> -> memref<1x128x128xf32, #tpu.memory_space<vmem>>
    %dma_start3A_5 = tpu.memref_squeeze %dma_start3A_4 : memref<1x128x128xf32, #tpu.memory_space<vmem>> -> memref<128x128xf32, #tpu.memory_space<vmem>>
    %dma_start3A_6 = arith.constant 0 : i32
    %dma_start3A_7 = tpu.memref_slice %arg7[%dma_start3A, %dma_start3A_6] : memref<4x128xi32, #tpu.memory_space<vmem>> -> memref<1x128xi32, #tpu.memory_space<vmem>>
    %dma_start3A_8 = tpu.memref_squeeze %dma_start3A_7 : memref<1x128xi32, #tpu.memory_space<vmem>> -> memref<128xi32, #tpu.memory_space<vmem>>
    %dma_start3A_9 = arith.constant 0 : i32
    %dma_start3A_10 = arith.constant 0 : i32
    %dma_start3A_11 = tpu.memref_slice %arg2[%dma_start3A_9, %dma_start3A_10] : memref<100000x128xf32, #tpu.memory_space<hbm>> -> memref<100000x128xf32, #tpu.memory_space<hbm>>
    tpu.enqueue_indirect_dma source(%dma_start3A_11 : memref<100000x128xf32, #tpu.memory_space<hbm>>) target(%dma_start3A_5 : memref<128x128xf32, #tpu.memory_space<vmem>>) offsets(%dma_start3A_8 : memref<128xi32, #tpu.memory_space<vmem>>) semaphore(%arg10 : memref<!tpu.dma_semaphore, #tpu.memory_space<semaphore_mem>>)
    %dma_start3A_12 = arith.constant 1 : i32
    %dma_start3A_13 = arith.constant 1 : i32
    %dma_start3A_14 = arith.constant 0 : i32
    %dma_start3A_15 = arith.constant 0 : i32
    %dma_start3A_16 = tpu.memref_slice %arg9[%dma_start3A_13, %dma_start3A_14, %dma_start3A_15] : memref<4x128x128xf32, #tpu.memory_space<vmem>> -> memref<1x128x128xf32, #tpu.memory_space<vmem>>
    %dma_start3A_17 = tpu.memref_squeeze %dma_start3A_16 : memref<1x128x128xf32, #tpu.memory_space<vmem>> -> memref<128x128xf32, #tpu.memory_space<vmem>>
    %dma_start3A_18 = arith.constant 0 : i32
    %dma_start3A_19 = tpu.memref_slice %arg7[%dma_start3A_12, %dma_start3A_18] : memref<4x128xi32, #tpu.memory_space<vmem>> -> memref<1x128xi32, #tpu.memory_space<vmem>>
    %dma_start3A_20 = tpu.memref_squeeze %dma_start3A_19 : memref<1x128xi32, #tpu.memory_space<vmem>> -> memref<128xi32, #tpu.memory_space<vmem>>
    %dma_start3A_21 = arith.constant 0 : i32
    %dma_start3A_22 = arith.constant 0 : i32
    %dma_start3A_23 = tpu.memref_slice %arg2[%dma_start3A_21, %dma_start3A_22] : memref<100000x128xf32, #tpu.memory_space<hbm>> -> memref<100000x128xf32, #tpu.memory_space<hbm>>
    tpu.enqueue_indirect_dma source(%dma_start3A_23 : memref<100000x128xf32, #tpu.memory_space<hbm>>) target(%dma_start3A_17 : memref<128x128xf32, #tpu.memory_space<vmem>>) offsets(%dma_start3A_20 : memref<128xi32, #tpu.memory_space<vmem>>) semaphore(%arg10 : memref<!tpu.dma_semaphore, #tpu.memory_space<semaphore_mem>>)
    %dma_start3A_24 = arith.constant 2 : i32
    %dma_start3A_25 = arith.constant 2 : i32
    %dma_start3A_26 = arith.constant 0 : i32
    %dma_start3A_27 = arith.constant 0 : i32
    %dma_start3A_28 = tpu.memref_slice %arg9[%dma_start3A_25, %dma_start3A_26, %dma_start3A_27] : memref<4x128x128xf32, #tpu.memory_space<vmem>> -> memref<1x128x128xf32, #tpu.memory_space<vmem>>
    %dma_start3A_29 = tpu.memref_squeeze %dma_start3A_28 : memref<1x128x128xf32, #tpu.memory_space<vmem>> -> memref<128x128xf32, #tpu.memory_space<vmem>>
    %dma_start3A_30 = arith.constant 0 : i32
    %dma_start3A_31 = tpu.memref_slice %arg7[%dma_start3A_24, %dma_start3A_30] : memref<4x128xi32, #tpu.memory_space<vmem>> -> memref<1x128xi32, #tpu.memory_space<vmem>>
    %dma_start3A_32 = tpu.memref_squeeze %dma_start3A_31 : memref<1x128xi32, #tpu.memory_space<vmem>> -> memref<128xi32, #tpu.memory_space<vmem>>
    %dma_start3A_33 = arith.constant 0 : i32
    %dma_start3A_34 = arith.constant 0 : i32
    %dma_start3A_35 = tpu.memref_slice %arg2[%dma_start3A_33, %dma_start3A_34] : memref<100000x128xf32, #tpu.memory_space<hbm>> -> memref<100000x128xf32, #tpu.memory_space<hbm>>
    tpu.enqueue_indirect_dma source(%dma_start3A_35 : memref<100000x128xf32, #tpu.memory_space<hbm>>) target(%dma_start3A_29 : memref<128x128xf32, #tpu.memory_space<vmem>>) offsets(%dma_start3A_32 : memref<128xi32, #tpu.memory_space<vmem>>) semaphore(%arg10 : memref<!tpu.dma_semaphore, #tpu.memory_space<semaphore_mem>>)
    %dma_start3A_36 = arith.constant 3 : i32
    %dma_start3A_37 = arith.constant 3 : i32
    %dma_start3A_38 = arith.constant 0 : i32
    %dma_start3A_39 = arith.constant 0 : i32
    %dma_start3A_40 = tpu.memref_slice %arg9[%dma_start3A_37, %dma_start3A_38, %dma_start3A_39] : memref<4x128x128xf32, #tpu.memory_space<vmem>> -> memref<1x128x128xf32, #tpu.memory_space<vmem>>
    %dma_start3A_41 = tpu.memref_squeeze %dma_start3A_40 : memref<1x128x128xf32, #tpu.memory_space<vmem>> -> memref<128x128xf32, #tpu.memory_space<vmem>>
    %dma_start3A_42 = arith.constant 0 : i32
    %dma_start3A_43 = tpu.memref_slice %arg7[%dma_start3A_36, %dma_start3A_42] : memref<4x128xi32, #tpu.memory_space<vmem>> -> memref<1x128xi32, #tpu.memory_space<vmem>>
    %dma_start3A_44 = tpu.memref_squeeze %dma_start3A_43 : memref<1x128xi32, #tpu.memory_space<vmem>> -> memref<128xi32, #tpu.memory_space<vmem>>
    %dma_start3A_45 = arith.constant 0 : i32
    %dma_start3A_46 = arith.constant 0 : i32
    %dma_start3A_47 = tpu.memref_slice %arg2[%dma_start3A_45, %dma_start3A_46] : memref<100000x128xf32, #tpu.memory_space<hbm>> -> memref<100000x128xf32, #tpu.memory_space<hbm>>
    tpu.enqueue_indirect_dma source(%dma_start3A_47 : memref<100000x128xf32, #tpu.memory_space<hbm>>) target(%dma_start3A_41 : memref<128x128xf32, #tpu.memory_space<vmem>>) offsets(%dma_start3A_44 : memref<128xi32, #tpu.memory_space<vmem>>) semaphore(%arg10 : memref<!tpu.dma_semaphore, #tpu.memory_space<semaphore_mem>>)
    %dma_wait3A = arith.constant 0 : i32
    %dma_wait3A_48 = arith.constant 0 : i32
    %dma_wait3A_49 = arith.constant 0 : i32
    %dma_wait3A_50 = arith.constant 0 : i32
    %dma_wait3A_51 = tpu.memref_slice %arg9[%dma_wait3A_48, %dma_wait3A_49, %dma_wait3A_50] : memref<4x128x128xf32, #tpu.memory_space<vmem>> -> memref<1x128x128xf32, #tpu.memory_space<vmem>>
    %dma_wait3A_52 = tpu.memref_squeeze %dma_wait3A_51 : memref<1x128x128xf32, #tpu.memory_space<vmem>> -> memref<128x128xf32, #tpu.memory_space<vmem>>
    %dma_wait3A_53 = arith.constant 0 : i32
    %dma_wait3A_54 = tpu.memref_slice %arg7[%dma_wait3A, %dma_wait3A_53] : memref<4x128xi32, #tpu.memory_space<vmem>> -> memref<1x128xi32, #tpu.memory_space<vmem>>
    %dma_wait3A_55 = tpu.memref_squeeze %dma_wait3A_54 : memref<1x128xi32, #tpu.memory_space<vmem>> -> memref<128xi32, #tpu.memory_space<vmem>>
    %dma_wait3A_56 = arith.constant 0 : i32
    %dma_wait3A_57 = arith.constant 0 : i32
    %dma_wait3A_58 = tpu.memref_slice %arg2[%dma_wait3A_56, %dma_wait3A_57] : memref<100000x128xf32, #tpu.memory_space<hbm>> -> memref<100000x128xf32, #tpu.memory_space<hbm>>
    tpu.wait_indirect_dma semaphore(%arg10 : memref<!tpu.dma_semaphore, #tpu.memory_space<semaphore_mem>>) src(%dma_wait3A_58 : memref<100000x128xf32, #tpu.memory_space<hbm>>) dst(%dma_wait3A_52 : memref<128x128xf32, #tpu.memory_space<vmem>>)
    %dma_wait3A_59 = arith.constant 1 : i32
    %dma_wait3A_60 = arith.constant 1 : i32
    %dma_wait3A_61 = arith.constant 0 : i32
    %dma_wait3A_62 = arith.constant 0 : i32
    %dma_wait3A_63 = tpu.memref_slice %arg9[%dma_wait3A_60, %dma_wait3A_61, %dma_wait3A_62] : memref<4x128x128xf32, #tpu.memory_space<vmem>> -> memref<1x128x128xf32, #tpu.memory_space<vmem>>
    %dma_wait3A_64 = tpu.memref_squeeze %dma_wait3A_63 : memref<1x128x128xf32, #tpu.memory_space<vmem>> -> memref<128x128xf32, #tpu.memory_space<vmem>>
    %dma_wait3A_65 = arith.constant 0 : i32
    %dma_wait3A_66 = tpu.memref_slice %arg7[%dma_wait3A_59, %dma_wait3A_65] : memref<4x128xi32, #tpu.memory_space<vmem>> -> memref<1x128xi32, #tpu.memory_space<vmem>>
    %dma_wait3A_67 = tpu.memref_squeeze %dma_wait3A_66 : memref<1x128xi32, #tpu.memory_space<vmem>> -> memref<128xi32, #tpu.memory_space<vmem>>
    %dma_wait3A_68 = arith.constant 0 : i32
    %dma_wait3A_69 = arith.constant 0 : i32
    %dma_wait3A_70 = tpu.memref_slice %arg2[%dma_wait3A_68, %dma_wait3A_69] : memref<100000x128xf32, #tpu.memory_space<hbm>> -> memref<100000x128xf32, #tpu.memory_space<hbm>>
    tpu.wait_indirect_dma semaphore(%arg10 : memref<!tpu.dma_semaphore, #tpu.memory_space<semaphore_mem>>) src(%dma_wait3A_70 : memref<100000x128xf32, #tpu.memory_space<hbm>>) dst(%dma_wait3A_64 : memref<128x128xf32, #tpu.memory_space<vmem>>)
    %dma_wait3A_71 = arith.constant 2 : i32
    %dma_wait3A_72 = arith.constant 2 : i32
    %dma_wait3A_73 = arith.constant 0 : i32
    %dma_wait3A_74 = arith.constant 0 : i32
    %dma_wait3A_75 = tpu.memref_slice %arg9[%dma_wait3A_72, %dma_wait3A_73, %dma_wait3A_74] : memref<4x128x128xf32, #tpu.memory_space<vmem>> -> memref<1x128x128xf32, #tpu.memory_space<vmem>>
    %dma_wait3A_76 = tpu.memref_squeeze %dma_wait3A_75 : memref<1x128x128xf32, #tpu.memory_space<vmem>> -> memref<128x128xf32, #tpu.memory_space<vmem>>
    %dma_wait3A_77 = arith.constant 0 : i32
    %dma_wait3A_78 = tpu.memref_slice %arg7[%dma_wait3A_71, %dma_wait3A_77] : memref<4x128xi32, #tpu.memory_space<vmem>> -> memref<1x128xi32, #tpu.memory_space<vmem>>
    %dma_wait3A_79 = tpu.memref_squeeze %dma_wait3A_78 : memref<1x128xi32, #tpu.memory_space<vmem>> -> memref<128xi32, #tpu.memory_space<vmem>>
    %dma_wait3A_80 = arith.constant 0 : i32
    %dma_wait3A_81 = arith.constant 0 : i32
    %dma_wait3A_82 = tpu.memref_slice %arg2[%dma_wait3A_80, %dma_wait3A_81] : memref<100000x128xf32, #tpu.memory_space<hbm>> -> memref<100000x128xf32, #tpu.memory_space<hbm>>
    tpu.wait_indirect_dma semaphore(%arg10 : memref<!tpu.dma_semaphore, #tpu.memory_space<semaphore_mem>>) src(%dma_wait3A_82 : memref<100000x128xf32, #tpu.memory_space<hbm>>) dst(%dma_wait3A_76 : memref<128x128xf32, #tpu.memory_space<vmem>>)
    %dma_wait3A_83 = arith.constant 3 : i32
    %dma_wait3A_84 = arith.constant 3 : i32
    %dma_wait3A_85 = arith.constant 0 : i32
    %dma_wait3A_86 = arith.constant 0 : i32
    %dma_wait3A_87 = tpu.memref_slice %arg9[%dma_wait3A_84, %dma_wait3A_85, %dma_wait3A_86] : memref<4x128x128xf32, #tpu.memory_space<vmem>> -> memref<1x128x128xf32, #tpu.memory_space<vmem>>
    %dma_wait3A_88 = tpu.memref_squeeze %dma_wait3A_87 : memref<1x128x128xf32, #tpu.memory_space<vmem>> -> memref<128x128xf32, #tpu.memory_space<vmem>>
    %dma_wait3A_89 = arith.constant 0 : i32
    %dma_wait3A_90 = tpu.memref_slice %arg7[%dma_wait3A_83, %dma_wait3A_89] : memref<4x128xi32, #tpu.memory_space<vmem>> -> memref<1x128xi32, #tpu.memory_space<vmem>>
    %dma_wait3A_91 = tpu.memref_squeeze %dma_wait3A_90 : memref<1x128xi32, #tpu.memory_space<vmem>> -> memref<128xi32, #tpu.memory_space<vmem>>
    %dma_wait3A_92 = arith.constant 0 : i32
    %dma_wait3A_93 = arith.constant 0 : i32
    %dma_wait3A_94 = tpu.memref_slice %arg2[%dma_wait3A_92, %dma_wait3A_93] : memref<100000x128xf32, #tpu.memory_space<hbm>> -> memref<100000x128xf32, #tpu.memory_space<hbm>>
    tpu.wait_indirect_dma semaphore(%arg10 : memref<!tpu.dma_semaphore, #tpu.memory_space<semaphore_mem>>) src(%dma_wait3A_94 : memref<100000x128xf32, #tpu.memory_space<hbm>>) dst(%dma_wait3A_88 : memref<128x128xf32, #tpu.memory_space<vmem>>)
    "tpu.region"() ({
      %run_scoped3A = tpu.sem_alloc : memref<!tpu.dma_semaphore, #tpu.memory_space<semaphore_mem>>
      %dma_start3A_191 = arith.constant 0 : i32
      %dma_start3A_192 = arith.constant 0 : i32
      %dma_start3A_193 = arith.constant 0 : i32
      %dma_start3A_194 = tpu.memref_slice %arg5[%add3A, %dma_start3A_191, %dma_start3A_192, %dma_start3A_193] : memref<32x4x128x128xf32, #tpu.memory_space<hbm>> -> memref<1x4x128x128xf32, #tpu.memory_space<hbm>>
      %dma_start3A_195 = tpu.memref_squeeze %dma_start3A_194 : memref<1x4x128x128xf32, #tpu.memory_space<hbm>> -> memref<4x128x128xf32, #tpu.memory_space<hbm>>
      %dma_start3A_196 = arith.constant 0 : i32
      %dma_start3A_197 = arith.constant 0 : i32
      %dma_start3A_198 = arith.constant 0 : i32
      %dma_start3A_199 = tpu.memref_slice %arg5[%add3A, %dma_start3A_196, %dma_start3A_197, %dma_start3A_198] : memref<32x4x128x128xf32, #tpu.memory_space<hbm>> -> memref<1x4x128x128xf32, #tpu.memory_space<hbm>>
      %dma_start3A_200 = tpu.memref_squeeze %dma_start3A_199 : memref<1x4x128x128xf32, #tpu.memory_space<hbm>> -> memref<4x128x128xf32, #tpu.memory_space<hbm>>
      tpu.enqueue_dma source(%arg9 : memref<4x128x128xf32, #tpu.memory_space<vmem>>) target(%dma_start3A_200 : memref<4x128x128xf32, #tpu.memory_space<hbm>>) target_semaphore(%run_scoped3A : memref<!tpu.dma_semaphore, #tpu.memory_space<semaphore_mem>>)
      %dma_wait3A_201 = arith.constant 0 : i32
      %dma_wait3A_202 = arith.constant 0 : i32
      %dma_wait3A_203 = arith.constant 0 : i32
      %dma_wait3A_204 = tpu.memref_slice %arg5[%add3A, %dma_wait3A_201, %dma_wait3A_202, %dma_wait3A_203] : memref<32x4x128x128xf32, #tpu.memory_space<hbm>> -> memref<1x4x128x128xf32, #tpu.memory_space<hbm>>
      %dma_wait3A_205 = tpu.memref_squeeze %dma_wait3A_204 : memref<1x4x128x128xf32, #tpu.memory_space<hbm>> -> memref<4x128x128xf32, #tpu.memory_space<hbm>>
      %dma_wait3A_206 = arith.constant 0 : i32
      %dma_wait3A_207 = arith.constant 0 : i32
      %dma_wait3A_208 = arith.constant 0 : i32
      %dma_wait3A_209 = tpu.memref_slice %arg5[%add3A, %dma_wait3A_206, %dma_wait3A_207, %dma_wait3A_208] : memref<32x4x128x128xf32, #tpu.memory_space<hbm>> -> memref<1x4x128x128xf32, #tpu.memory_space<hbm>>
      %dma_wait3A_210 = tpu.memref_squeeze %dma_wait3A_209 : memref<1x4x128x128xf32, #tpu.memory_space<hbm>> -> memref<4x128x128xf32, #tpu.memory_space<hbm>>
      tpu.wait_dma2 semaphore(%run_scoped3A : memref<!tpu.dma_semaphore, #tpu.memory_space<semaphore_mem>>) src(%arg9 : memref<4x128x128xf32, #tpu.memory_space<vmem>>) dst(%dma_wait3A_210 : memref<4x128x128xf32, #tpu.memory_space<hbm>>)
      tpu.yield
    }) : () -> ()
    %dma_start3A_95 = arith.constant 0 : i32
    %dma_start3A_96 = arith.constant 0 : i32
    %dma_start3A_97 = arith.constant 0 : i32
    %dma_start3A_98 = arith.constant 0 : i32
    %dma_start3A_99 = tpu.memref_slice %arg9[%dma_start3A_96, %dma_start3A_97, %dma_start3A_98] : memref<4x128x128xf32, #tpu.memory_space<vmem>> -> memref<1x128x128xf32, #tpu.memory_space<vmem>>
    %dma_start3A_100 = tpu.memref_squeeze %dma_start3A_99 : memref<1x128x128xf32, #tpu.memory_space<vmem>> -> memref<128x128xf32, #tpu.memory_space<vmem>>
    %dma_start3A_101 = arith.constant 0 : i32
    %dma_start3A_102 = tpu.memref_slice %arg8[%dma_start3A_95, %dma_start3A_101] : memref<4x128xi32, #tpu.memory_space<vmem>> -> memref<1x128xi32, #tpu.memory_space<vmem>>
    %dma_start3A_103 = tpu.memref_squeeze %dma_start3A_102 : memref<1x128xi32, #tpu.memory_space<vmem>> -> memref<128xi32, #tpu.memory_space<vmem>>
    %dma_start3A_104 = arith.constant 0 : i32
    %dma_start3A_105 = arith.constant 0 : i32
    %dma_start3A_106 = tpu.memref_slice %arg2[%dma_start3A_104, %dma_start3A_105] : memref<100000x128xf32, #tpu.memory_space<hbm>> -> memref<100000x128xf32, #tpu.memory_space<hbm>>
    tpu.enqueue_indirect_dma source(%dma_start3A_106 : memref<100000x128xf32, #tpu.memory_space<hbm>>) target(%dma_start3A_100 : memref<128x128xf32, #tpu.memory_space<vmem>>) offsets(%dma_start3A_103 : memref<128xi32, #tpu.memory_space<vmem>>) semaphore(%arg10 : memref<!tpu.dma_semaphore, #tpu.memory_space<semaphore_mem>>)
    %dma_start3A_107 = arith.constant 1 : i32
    %dma_start3A_108 = arith.constant 1 : i32
    %dma_start3A_109 = arith.constant 0 : i32
    %dma_start3A_110 = arith.constant 0 : i32
    %dma_start3A_111 = tpu.memref_slice %arg9[%dma_start3A_108, %dma_start3A_109, %dma_start3A_110] : memref<4x128x128xf32, #tpu.memory_space<vmem>> -> memref<1x128x128xf32, #tpu.memory_space<vmem>>
    %dma_start3A_112 = tpu.memref_squeeze %dma_start3A_111 : memref<1x128x128xf32, #tpu.memory_space<vmem>> -> memref<128x128xf32, #tpu.memory_space<vmem>>
    %dma_start3A_113 = arith.constant 0 : i32
    %dma_start3A_114 = tpu.memref_slice %arg8[%dma_start3A_107, %dma_start3A_113] : memref<4x128xi32, #tpu.memory_space<vmem>> -> memref<1x128xi32, #tpu.memory_space<vmem>>
    %dma_start3A_115 = tpu.memref_squeeze %dma_start3A_114 : memref<1x128xi32, #tpu.memory_space<vmem>> -> memref<128xi32, #tpu.memory_space<vmem>>
    %dma_start3A_116 = arith.constant 0 : i32
    %dma_start3A_117 = arith.constant 0 : i32
    %dma_start3A_118 = tpu.memref_slice %arg2[%dma_start3A_116, %dma_start3A_117] : memref<100000x128xf32, #tpu.memory_space<hbm>> -> memref<100000x128xf32, #tpu.memory_space<hbm>>
    tpu.enqueue_indirect_dma source(%dma_start3A_118 : memref<100000x128xf32, #tpu.memory_space<hbm>>) target(%dma_start3A_112 : memref<128x128xf32, #tpu.memory_space<vmem>>) offsets(%dma_start3A_115 : memref<128xi32, #tpu.memory_space<vmem>>) semaphore(%arg10 : memref<!tpu.dma_semaphore, #tpu.memory_space<semaphore_mem>>)
    %dma_start3A_119 = arith.constant 2 : i32
    %dma_start3A_120 = arith.constant 2 : i32
    %dma_start3A_121 = arith.constant 0 : i32
    %dma_start3A_122 = arith.constant 0 : i32
    %dma_start3A_123 = tpu.memref_slice %arg9[%dma_start3A_120, %dma_start3A_121, %dma_start3A_122] : memref<4x128x128xf32, #tpu.memory_space<vmem>> -> memref<1x128x128xf32, #tpu.memory_space<vmem>>
    %dma_start3A_124 = tpu.memref_squeeze %dma_start3A_123 : memref<1x128x128xf32, #tpu.memory_space<vmem>> -> memref<128x128xf32, #tpu.memory_space<vmem>>
    %dma_start3A_125 = arith.constant 0 : i32
    %dma_start3A_126 = tpu.memref_slice %arg8[%dma_start3A_119, %dma_start3A_125] : memref<4x128xi32, #tpu.memory_space<vmem>> -> memref<1x128xi32, #tpu.memory_space<vmem>>
    %dma_start3A_127 = tpu.memref_squeeze %dma_start3A_126 : memref<1x128xi32, #tpu.memory_space<vmem>> -> memref<128xi32, #tpu.memory_space<vmem>>
    %dma_start3A_128 = arith.constant 0 : i32
    %dma_start3A_129 = arith.constant 0 : i32
    %dma_start3A_130 = tpu.memref_slice %arg2[%dma_start3A_128, %dma_start3A_129] : memref<100000x128xf32, #tpu.memory_space<hbm>> -> memref<100000x128xf32, #tpu.memory_space<hbm>>
    tpu.enqueue_indirect_dma source(%dma_start3A_130 : memref<100000x128xf32, #tpu.memory_space<hbm>>) target(%dma_start3A_124 : memref<128x128xf32, #tpu.memory_space<vmem>>) offsets(%dma_start3A_127 : memref<128xi32, #tpu.memory_space<vmem>>) semaphore(%arg10 : memref<!tpu.dma_semaphore, #tpu.memory_space<semaphore_mem>>)
    %dma_start3A_131 = arith.constant 3 : i32
    %dma_start3A_132 = arith.constant 3 : i32
    %dma_start3A_133 = arith.constant 0 : i32
    %dma_start3A_134 = arith.constant 0 : i32
    %dma_start3A_135 = tpu.memref_slice %arg9[%dma_start3A_132, %dma_start3A_133, %dma_start3A_134] : memref<4x128x128xf32, #tpu.memory_space<vmem>> -> memref<1x128x128xf32, #tpu.memory_space<vmem>>
    %dma_start3A_136 = tpu.memref_squeeze %dma_start3A_135 : memref<1x128x128xf32, #tpu.memory_space<vmem>> -> memref<128x128xf32, #tpu.memory_space<vmem>>
    %dma_start3A_137 = arith.constant 0 : i32
    %dma_start3A_138 = tpu.memref_slice %arg8[%dma_start3A_131, %dma_start3A_137] : memref<4x128xi32, #tpu.memory_space<vmem>> -> memref<1x128xi32, #tpu.memory_space<vmem>>
    %dma_start3A_139 = tpu.memref_squeeze %dma_start3A_138 : memref<1x128xi32, #tpu.memory_space<vmem>> -> memref<128xi32, #tpu.memory_space<vmem>>
    %dma_start3A_140 = arith.constant 0 : i32
    %dma_start3A_141 = arith.constant 0 : i32
    %dma_start3A_142 = tpu.memref_slice %arg2[%dma_start3A_140, %dma_start3A_141] : memref<100000x128xf32, #tpu.memory_space<hbm>> -> memref<100000x128xf32, #tpu.memory_space<hbm>>
    tpu.enqueue_indirect_dma source(%dma_start3A_142 : memref<100000x128xf32, #tpu.memory_space<hbm>>) target(%dma_start3A_136 : memref<128x128xf32, #tpu.memory_space<vmem>>) offsets(%dma_start3A_139 : memref<128xi32, #tpu.memory_space<vmem>>) semaphore(%arg10 : memref<!tpu.dma_semaphore, #tpu.memory_space<semaphore_mem>>)
    %dma_wait3A_143 = arith.constant 0 : i32
    %dma_wait3A_144 = arith.constant 0 : i32
    %dma_wait3A_145 = arith.constant 0 : i32
    %dma_wait3A_146 = arith.constant 0 : i32
    %dma_wait3A_147 = tpu.memref_slice %arg9[%dma_wait3A_144, %dma_wait3A_145, %dma_wait3A_146] : memref<4x128x128xf32, #tpu.memory_space<vmem>> -> memref<1x128x128xf32, #tpu.memory_space<vmem>>
    %dma_wait3A_148 = tpu.memref_squeeze %dma_wait3A_147 : memref<1x128x128xf32, #tpu.memory_space<vmem>> -> memref<128x128xf32, #tpu.memory_space<vmem>>
    %dma_wait3A_149 = arith.constant 0 : i32
    %dma_wait3A_150 = tpu.memref_slice %arg8[%dma_wait3A_143, %dma_wait3A_149] : memref<4x128xi32, #tpu.memory_space<vmem>> -> memref<1x128xi32, #tpu.memory_space<vmem>>
    %dma_wait3A_151 = tpu.memref_squeeze %dma_wait3A_150 : memref<1x128xi32, #tpu.memory_space<vmem>> -> memref<128xi32, #tpu.memory_space<vmem>>
    %dma_wait3A_152 = arith.constant 0 : i32
    %dma_wait3A_153 = arith.constant 0 : i32
    %dma_wait3A_154 = tpu.memref_slice %arg2[%dma_wait3A_152, %dma_wait3A_153] : memref<100000x128xf32, #tpu.memory_space<hbm>> -> memref<100000x128xf32, #tpu.memory_space<hbm>>
    tpu.wait_indirect_dma semaphore(%arg10 : memref<!tpu.dma_semaphore, #tpu.memory_space<semaphore_mem>>) src(%dma_wait3A_154 : memref<100000x128xf32, #tpu.memory_space<hbm>>) dst(%dma_wait3A_148 : memref<128x128xf32, #tpu.memory_space<vmem>>)
    %dma_wait3A_155 = arith.constant 1 : i32
    %dma_wait3A_156 = arith.constant 1 : i32
    %dma_wait3A_157 = arith.constant 0 : i32
    %dma_wait3A_158 = arith.constant 0 : i32
    %dma_wait3A_159 = tpu.memref_slice %arg9[%dma_wait3A_156, %dma_wait3A_157, %dma_wait3A_158] : memref<4x128x128xf32, #tpu.memory_space<vmem>> -> memref<1x128x128xf32, #tpu.memory_space<vmem>>
    %dma_wait3A_160 = tpu.memref_squeeze %dma_wait3A_159 : memref<1x128x128xf32, #tpu.memory_space<vmem>> -> memref<128x128xf32, #tpu.memory_space<vmem>>
    %dma_wait3A_161 = arith.constant 0 : i32
    %dma_wait3A_162 = tpu.memref_slice %arg8[%dma_wait3A_155, %dma_wait3A_161] : memref<4x128xi32, #tpu.memory_space<vmem>> -> memref<1x128xi32, #tpu.memory_space<vmem>>
    %dma_wait3A_163 = tpu.memref_squeeze %dma_wait3A_162 : memref<1x128xi32, #tpu.memory_space<vmem>> -> memref<128xi32, #tpu.memory_space<vmem>>
    %dma_wait3A_164 = arith.constant 0 : i32
    %dma_wait3A_165 = arith.constant 0 : i32
    %dma_wait3A_166 = tpu.memref_slice %arg2[%dma_wait3A_164, %dma_wait3A_165] : memref<100000x128xf32, #tpu.memory_space<hbm>> -> memref<100000x128xf32, #tpu.memory_space<hbm>>
    tpu.wait_indirect_dma semaphore(%arg10 : memref<!tpu.dma_semaphore, #tpu.memory_space<semaphore_mem>>) src(%dma_wait3A_166 : memref<100000x128xf32, #tpu.memory_space<hbm>>) dst(%dma_wait3A_160 : memref<128x128xf32, #tpu.memory_space<vmem>>)
    %dma_wait3A_167 = arith.constant 2 : i32
    %dma_wait3A_168 = arith.constant 2 : i32
    %dma_wait3A_169 = arith.constant 0 : i32
    %dma_wait3A_170 = arith.constant 0 : i32
    %dma_wait3A_171 = tpu.memref_slice %arg9[%dma_wait3A_168, %dma_wait3A_169, %dma_wait3A_170] : memref<4x128x128xf32, #tpu.memory_space<vmem>> -> memref<1x128x128xf32, #tpu.memory_space<vmem>>
    %dma_wait3A_172 = tpu.memref_squeeze %dma_wait3A_171 : memref<1x128x128xf32, #tpu.memory_space<vmem>> -> memref<128x128xf32, #tpu.memory_space<vmem>>
    %dma_wait3A_173 = arith.constant 0 : i32
    %dma_wait3A_174 = tpu.memref_slice %arg8[%dma_wait3A_167, %dma_wait3A_173] : memref<4x128xi32, #tpu.memory_space<vmem>> -> memref<1x128xi32, #tpu.memory_space<vmem>>
    %dma_wait3A_175 = tpu.memref_squeeze %dma_wait3A_174 : memref<1x128xi32, #tpu.memory_space<vmem>> -> memref<128xi32, #tpu.memory_space<vmem>>
    %dma_wait3A_176 = arith.constant 0 : i32
    %dma_wait3A_177 = arith.constant 0 : i32
    %dma_wait3A_178 = tpu.memref_slice %arg2[%dma_wait3A_176, %dma_wait3A_177] : memref<100000x128xf32, #tpu.memory_space<hbm>> -> memref<100000x128xf32, #tpu.memory_space<hbm>>
    tpu.wait_indirect_dma semaphore(%arg10 : memref<!tpu.dma_semaphore, #tpu.memory_space<semaphore_mem>>) src(%dma_wait3A_178 : memref<100000x128xf32, #tpu.memory_space<hbm>>) dst(%dma_wait3A_172 : memref<128x128xf32, #tpu.memory_space<vmem>>)
    %dma_wait3A_179 = arith.constant 3 : i32
    %dma_wait3A_180 = arith.constant 3 : i32
    %dma_wait3A_181 = arith.constant 0 : i32
    %dma_wait3A_182 = arith.constant 0 : i32
    %dma_wait3A_183 = tpu.memref_slice %arg9[%dma_wait3A_180, %dma_wait3A_181, %dma_wait3A_182] : memref<4x128x128xf32, #tpu.memory_space<vmem>> -> memref<1x128x128xf32, #tpu.memory_space<vmem>>
    %dma_wait3A_184 = tpu.memref_squeeze %dma_wait3A_183 : memref<1x128x128xf32, #tpu.memory_space<vmem>> -> memref<128x128xf32, #tpu.memory_space<vmem>>
    %dma_wait3A_185 = arith.constant 0 : i32
    %dma_wait3A_186 = tpu.memref_slice %arg8[%dma_wait3A_179, %dma_wait3A_185] : memref<4x128xi32, #tpu.memory_space<vmem>> -> memref<1x128xi32, #tpu.memory_space<vmem>>
    %dma_wait3A_187 = tpu.memref_squeeze %dma_wait3A_186 : memref<1x128xi32, #tpu.memory_space<vmem>> -> memref<128xi32, #tpu.memory_space<vmem>>
    %dma_wait3A_188 = arith.constant 0 : i32
    %dma_wait3A_189 = arith.constant 0 : i32
    %dma_wait3A_190 = tpu.memref_slice %arg2[%dma_wait3A_188, %dma_wait3A_189] : memref<100000x128xf32, #tpu.memory_space<hbm>> -> memref<100000x128xf32, #tpu.memory_space<hbm>>
    tpu.wait_indirect_dma semaphore(%arg10 : memref<!tpu.dma_semaphore, #tpu.memory_space<semaphore_mem>>) src(%dma_wait3A_190 : memref<100000x128xf32, #tpu.memory_space<hbm>>) dst(%dma_wait3A_184 : memref<128x128xf32, #tpu.memory_space<vmem>>)
    "tpu.region"() ({
      %run_scoped3A = tpu.sem_alloc : memref<!tpu.dma_semaphore, #tpu.memory_space<semaphore_mem>>
      %dma_start3A_191 = arith.constant 0 : i32
      %dma_start3A_192 = arith.constant 0 : i32
      %dma_start3A_193 = arith.constant 0 : i32
      %dma_start3A_194 = tpu.memref_slice %arg6[%add3A, %dma_start3A_191, %dma_start3A_192, %dma_start3A_193] : memref<32x4x128x128xf32, #tpu.memory_space<hbm>> -> memref<1x4x128x128xf32, #tpu.memory_space<hbm>>
      %dma_start3A_195 = tpu.memref_squeeze %dma_start3A_194 : memref<1x4x128x128xf32, #tpu.memory_space<hbm>> -> memref<4x128x128xf32, #tpu.memory_space<hbm>>
      %dma_start3A_196 = arith.constant 0 : i32
      %dma_start3A_197 = arith.constant 0 : i32
      %dma_start3A_198 = arith.constant 0 : i32
      %dma_start3A_199 = tpu.memref_slice %arg6[%add3A, %dma_start3A_196, %dma_start3A_197, %dma_start3A_198] : memref<32x4x128x128xf32, #tpu.memory_space<hbm>> -> memref<1x4x128x128xf32, #tpu.memory_space<hbm>>
      %dma_start3A_200 = tpu.memref_squeeze %dma_start3A_199 : memref<1x4x128x128xf32, #tpu.memory_space<hbm>> -> memref<4x128x128xf32, #tpu.memory_space<hbm>>
      tpu.enqueue_dma source(%arg9 : memref<4x128x128xf32, #tpu.memory_space<vmem>>) target(%dma_start3A_200 : memref<4x128x128xf32, #tpu.memory_space<hbm>>) target_semaphore(%run_scoped3A : memref<!tpu.dma_semaphore, #tpu.memory_space<semaphore_mem>>)
      %dma_wait3A_201 = arith.constant 0 : i32
      %dma_wait3A_202 = arith.constant 0 : i32
      %dma_wait3A_203 = arith.constant 0 : i32
      %dma_wait3A_204 = tpu.memref_slice %arg6[%add3A, %dma_wait3A_201, %dma_wait3A_202, %dma_wait3A_203] : memref<32x4x128x128xf32, #tpu.memory_space<hbm>> -> memref<1x4x128x128xf32, #tpu.memory_space<hbm>>
      %dma_wait3A_205 = tpu.memref_squeeze %dma_wait3A_204 : memref<1x4x128x128xf32, #tpu.memory_space<hbm>> -> memref<4x128x128xf32, #tpu.memory_space<hbm>>
      %dma_wait3A_206 = arith.constant 0 : i32
      %dma_wait3A_207 = arith.constant 0 : i32
      %dma_wait3A_208 = arith.constant 0 : i32
      %dma_wait3A_209 = tpu.memref_slice %arg6[%add3A, %dma_wait3A_206, %dma_wait3A_207, %dma_wait3A_208] : memref<32x4x128x128xf32, #tpu.memory_space<hbm>> -> memref<1x4x128x128xf32, #tpu.memory_space<hbm>>
      %dma_wait3A_210 = tpu.memref_squeeze %dma_wait3A_209 : memref<1x4x128x128xf32, #tpu.memory_space<hbm>> -> memref<4x128x128xf32, #tpu.memory_space<hbm>>
      tpu.wait_dma2 semaphore(%run_scoped3A : memref<!tpu.dma_semaphore, #tpu.memory_space<semaphore_mem>>) src(%arg9 : memref<4x128x128xf32, #tpu.memory_space<vmem>>) dst(%dma_wait3A_210 : memref<4x128x128xf32, #tpu.memory_space<hbm>>)
      tpu.yield
    }) : () -> ()
    return
  }
}

#map = affine_map<(d0, d1) -> (0)>
#map1 = affine_map<(d0, d1) -> (0, 0, 0)>
module attributes {stable_mosaic.version = 14 : i64} {
  func.func @compose_kernel(%arg0: i32, %arg1: i32, %arg2: memref<100000xi32, #tpu.memory_space<hbm>>, %arg3: memref<32x4x128xi32, #tpu.memory_space<hbm>>, %arg4: memref<32x4x128xi32, #tpu.memory_space<hbm>>, %arg5: memref<32x4x128xi32, #tpu.memory_space<hbm>>, %arg6: memref<32x4x128xi32, #tpu.memory_space<hbm>>, %arg7: memref<4x128xi32, #tpu.memory_space<vmem>>, %arg8: memref<4x128xi32, #tpu.memory_space<vmem>>, %arg9: memref<4x128xi32, #tpu.memory_space<vmem>>, %arg10: memref<4x128xi32, #tpu.memory_space<vmem>>, %arg11: memref<!tpu.dma_semaphore, #tpu.memory_space<semaphore_mem>>) attributes {dimension_semantics = [#tpu.dimension_semantics<core_parallel>, #tpu.dimension_semantics<subcore_parallel>], iteration_bounds = array<i64: 2, 16>, scalar_prefetch = 0 : i64, scratch_operands = 5 : i64, tpu.core_type = #tpu.core_type<sc_vector_subcore>, window_params = [{transform_indices = #map}, {transform_indices = #map1}, {transform_indices = #map1}, {transform_indices = #map1}, {transform_indices = #map1}]} {
    %mul3A = arith.constant 2 : i32
    %mul3A_0 = arith.muli %arg1, %mul3A : i32
    %add3A = arith.addi %mul3A_0, %arg0 : i32
    "tpu.region"() ({
      %run_scoped3A = tpu.sem_alloc : memref<!tpu.dma_semaphore, #tpu.memory_space<semaphore_mem>>
      %dma_start3A_159 = arith.constant 0 : i32
      %dma_start3A_160 = arith.constant 0 : i32
      %dma_start3A_161 = tpu.memref_slice %arg3[%add3A, %dma_start3A_159, %dma_start3A_160] : memref<32x4x128xi32, #tpu.memory_space<hbm>> -> memref<1x4x128xi32, #tpu.memory_space<hbm>>
      %dma_start3A_162 = tpu.memref_squeeze %dma_start3A_161 : memref<1x4x128xi32, #tpu.memory_space<hbm>> -> memref<4x128xi32, #tpu.memory_space<hbm>>
      %dma_start3A_163 = arith.constant 0 : i32
      %dma_start3A_164 = arith.constant 0 : i32
      %dma_start3A_165 = tpu.memref_slice %arg3[%add3A, %dma_start3A_163, %dma_start3A_164] : memref<32x4x128xi32, #tpu.memory_space<hbm>> -> memref<1x4x128xi32, #tpu.memory_space<hbm>>
      %dma_start3A_166 = tpu.memref_squeeze %dma_start3A_165 : memref<1x4x128xi32, #tpu.memory_space<hbm>> -> memref<4x128xi32, #tpu.memory_space<hbm>>
      tpu.enqueue_dma source(%dma_start3A_166 : memref<4x128xi32, #tpu.memory_space<hbm>>) target(%arg7 : memref<4x128xi32, #tpu.memory_space<vmem>>) target_semaphore(%run_scoped3A : memref<!tpu.dma_semaphore, #tpu.memory_space<semaphore_mem>>)
      %dma_wait3A_167 = arith.constant 0 : i32
      %dma_wait3A_168 = arith.constant 0 : i32
      %dma_wait3A_169 = tpu.memref_slice %arg3[%add3A, %dma_wait3A_167, %dma_wait3A_168] : memref<32x4x128xi32, #tpu.memory_space<hbm>> -> memref<1x4x128xi32, #tpu.memory_space<hbm>>
      %dma_wait3A_170 = tpu.memref_squeeze %dma_wait3A_169 : memref<1x4x128xi32, #tpu.memory_space<hbm>> -> memref<4x128xi32, #tpu.memory_space<hbm>>
      %dma_wait3A_171 = arith.constant 0 : i32
      %dma_wait3A_172 = arith.constant 0 : i32
      %dma_wait3A_173 = tpu.memref_slice %arg3[%add3A, %dma_wait3A_171, %dma_wait3A_172] : memref<32x4x128xi32, #tpu.memory_space<hbm>> -> memref<1x4x128xi32, #tpu.memory_space<hbm>>
      %dma_wait3A_174 = tpu.memref_squeeze %dma_wait3A_173 : memref<1x4x128xi32, #tpu.memory_space<hbm>> -> memref<4x128xi32, #tpu.memory_space<hbm>>
      tpu.wait_dma2 semaphore(%run_scoped3A : memref<!tpu.dma_semaphore, #tpu.memory_space<semaphore_mem>>) src(%dma_wait3A_174 : memref<4x128xi32, #tpu.memory_space<hbm>>) dst(%arg7 : memref<4x128xi32, #tpu.memory_space<vmem>>)
      tpu.yield
    }) : () -> ()
    "tpu.region"() ({
      %run_scoped3A = tpu.sem_alloc : memref<!tpu.dma_semaphore, #tpu.memory_space<semaphore_mem>>
      %dma_start3A_159 = arith.constant 0 : i32
      %dma_start3A_160 = arith.constant 0 : i32
      %dma_start3A_161 = tpu.memref_slice %arg4[%add3A, %dma_start3A_159, %dma_start3A_160] : memref<32x4x128xi32, #tpu.memory_space<hbm>> -> memref<1x4x128xi32, #tpu.memory_space<hbm>>
      %dma_start3A_162 = tpu.memref_squeeze %dma_start3A_161 : memref<1x4x128xi32, #tpu.memory_space<hbm>> -> memref<4x128xi32, #tpu.memory_space<hbm>>
      %dma_start3A_163 = arith.constant 0 : i32
      %dma_start3A_164 = arith.constant 0 : i32
      %dma_start3A_165 = tpu.memref_slice %arg4[%add3A, %dma_start3A_163, %dma_start3A_164] : memref<32x4x128xi32, #tpu.memory_space<hbm>> -> memref<1x4x128xi32, #tpu.memory_space<hbm>>
      %dma_start3A_166 = tpu.memref_squeeze %dma_start3A_165 : memref<1x4x128xi32, #tpu.memory_space<hbm>> -> memref<4x128xi32, #tpu.memory_space<hbm>>
      tpu.enqueue_dma source(%dma_start3A_166 : memref<4x128xi32, #tpu.memory_space<hbm>>) target(%arg8 : memref<4x128xi32, #tpu.memory_space<vmem>>) target_semaphore(%run_scoped3A : memref<!tpu.dma_semaphore, #tpu.memory_space<semaphore_mem>>)
      %dma_wait3A_167 = arith.constant 0 : i32
      %dma_wait3A_168 = arith.constant 0 : i32
      %dma_wait3A_169 = tpu.memref_slice %arg4[%add3A, %dma_wait3A_167, %dma_wait3A_168] : memref<32x4x128xi32, #tpu.memory_space<hbm>> -> memref<1x4x128xi32, #tpu.memory_space<hbm>>
      %dma_wait3A_170 = tpu.memref_squeeze %dma_wait3A_169 : memref<1x4x128xi32, #tpu.memory_space<hbm>> -> memref<4x128xi32, #tpu.memory_space<hbm>>
      %dma_wait3A_171 = arith.constant 0 : i32
      %dma_wait3A_172 = arith.constant 0 : i32
      %dma_wait3A_173 = tpu.memref_slice %arg4[%add3A, %dma_wait3A_171, %dma_wait3A_172] : memref<32x4x128xi32, #tpu.memory_space<hbm>> -> memref<1x4x128xi32, #tpu.memory_space<hbm>>
      %dma_wait3A_174 = tpu.memref_squeeze %dma_wait3A_173 : memref<1x4x128xi32, #tpu.memory_space<hbm>> -> memref<4x128xi32, #tpu.memory_space<hbm>>
      tpu.wait_dma2 semaphore(%run_scoped3A : memref<!tpu.dma_semaphore, #tpu.memory_space<semaphore_mem>>) src(%dma_wait3A_174 : memref<4x128xi32, #tpu.memory_space<hbm>>) dst(%arg8 : memref<4x128xi32, #tpu.memory_space<vmem>>)
      tpu.yield
    }) : () -> ()
    %dma_start3A = arith.constant 0 : i32
    %dma_start3A_1 = arith.constant 0 : i32
    %dma_start3A_2 = arith.constant 0 : i32
    %dma_start3A_3 = tpu.memref_slice %arg9[%dma_start3A_1, %dma_start3A_2] : memref<4x128xi32, #tpu.memory_space<vmem>> -> memref<1x128xi32, #tpu.memory_space<vmem>>
    %dma_start3A_4 = tpu.memref_squeeze %dma_start3A_3 : memref<1x128xi32, #tpu.memory_space<vmem>> -> memref<128xi32, #tpu.memory_space<vmem>>
    %dma_start3A_5 = arith.constant 0 : i32
    %dma_start3A_6 = tpu.memref_slice %arg7[%dma_start3A, %dma_start3A_5] : memref<4x128xi32, #tpu.memory_space<vmem>> -> memref<1x128xi32, #tpu.memory_space<vmem>>
    %dma_start3A_7 = tpu.memref_squeeze %dma_start3A_6 : memref<1x128xi32, #tpu.memory_space<vmem>> -> memref<128xi32, #tpu.memory_space<vmem>>
    %dma_start3A_8 = arith.constant 0 : i32
    %dma_start3A_9 = tpu.memref_slice %arg2[%dma_start3A_8] : memref<100000xi32, #tpu.memory_space<hbm>> -> memref<100000xi32, #tpu.memory_space<hbm>>
    tpu.enqueue_indirect_dma source(%dma_start3A_9 : memref<100000xi32, #tpu.memory_space<hbm>>) target(%dma_start3A_4 : memref<128xi32, #tpu.memory_space<vmem>>) offsets(%dma_start3A_7 : memref<128xi32, #tpu.memory_space<vmem>>) semaphore(%arg11 : memref<!tpu.dma_semaphore, #tpu.memory_space<semaphore_mem>>)
    %dma_start3A_10 = arith.constant 0 : i32
    %dma_start3A_11 = arith.constant 0 : i32
    %dma_start3A_12 = arith.constant 0 : i32
    %dma_start3A_13 = tpu.memref_slice %arg10[%dma_start3A_11, %dma_start3A_12] : memref<4x128xi32, #tpu.memory_space<vmem>> -> memref<1x128xi32, #tpu.memory_space<vmem>>
    %dma_start3A_14 = tpu.memref_squeeze %dma_start3A_13 : memref<1x128xi32, #tpu.memory_space<vmem>> -> memref<128xi32, #tpu.memory_space<vmem>>
    %dma_start3A_15 = arith.constant 0 : i32
    %dma_start3A_16 = tpu.memref_slice %arg8[%dma_start3A_10, %dma_start3A_15] : memref<4x128xi32, #tpu.memory_space<vmem>> -> memref<1x128xi32, #tpu.memory_space<vmem>>
    %dma_start3A_17 = tpu.memref_squeeze %dma_start3A_16 : memref<1x128xi32, #tpu.memory_space<vmem>> -> memref<128xi32, #tpu.memory_space<vmem>>
    %dma_start3A_18 = arith.constant 0 : i32
    %dma_start3A_19 = tpu.memref_slice %arg2[%dma_start3A_18] : memref<100000xi32, #tpu.memory_space<hbm>> -> memref<100000xi32, #tpu.memory_space<hbm>>
    tpu.enqueue_indirect_dma source(%dma_start3A_19 : memref<100000xi32, #tpu.memory_space<hbm>>) target(%dma_start3A_14 : memref<128xi32, #tpu.memory_space<vmem>>) offsets(%dma_start3A_17 : memref<128xi32, #tpu.memory_space<vmem>>) semaphore(%arg11 : memref<!tpu.dma_semaphore, #tpu.memory_space<semaphore_mem>>)
    %dma_start3A_20 = arith.constant 1 : i32
    %dma_start3A_21 = arith.constant 1 : i32
    %dma_start3A_22 = arith.constant 0 : i32
    %dma_start3A_23 = tpu.memref_slice %arg9[%dma_start3A_21, %dma_start3A_22] : memref<4x128xi32, #tpu.memory_space<vmem>> -> memref<1x128xi32, #tpu.memory_space<vmem>>
    %dma_start3A_24 = tpu.memref_squeeze %dma_start3A_23 : memref<1x128xi32, #tpu.memory_space<vmem>> -> memref<128xi32, #tpu.memory_space<vmem>>
    %dma_start3A_25 = arith.constant 0 : i32
    %dma_start3A_26 = tpu.memref_slice %arg7[%dma_start3A_20, %dma_start3A_25] : memref<4x128xi32, #tpu.memory_space<vmem>> -> memref<1x128xi32, #tpu.memory_space<vmem>>
    %dma_start3A_27 = tpu.memref_squeeze %dma_start3A_26 : memref<1x128xi32, #tpu.memory_space<vmem>> -> memref<128xi32, #tpu.memory_space<vmem>>
    %dma_start3A_28 = arith.constant 0 : i32
    %dma_start3A_29 = tpu.memref_slice %arg2[%dma_start3A_28] : memref<100000xi32, #tpu.memory_space<hbm>> -> memref<100000xi32, #tpu.memory_space<hbm>>
    tpu.enqueue_indirect_dma source(%dma_start3A_29 : memref<100000xi32, #tpu.memory_space<hbm>>) target(%dma_start3A_24 : memref<128xi32, #tpu.memory_space<vmem>>) offsets(%dma_start3A_27 : memref<128xi32, #tpu.memory_space<vmem>>) semaphore(%arg11 : memref<!tpu.dma_semaphore, #tpu.memory_space<semaphore_mem>>)
    %dma_start3A_30 = arith.constant 1 : i32
    %dma_start3A_31 = arith.constant 1 : i32
    %dma_start3A_32 = arith.constant 0 : i32
    %dma_start3A_33 = tpu.memref_slice %arg10[%dma_start3A_31, %dma_start3A_32] : memref<4x128xi32, #tpu.memory_space<vmem>> -> memref<1x128xi32, #tpu.memory_space<vmem>>
    %dma_start3A_34 = tpu.memref_squeeze %dma_start3A_33 : memref<1x128xi32, #tpu.memory_space<vmem>> -> memref<128xi32, #tpu.memory_space<vmem>>
    %dma_start3A_35 = arith.constant 0 : i32
    %dma_start3A_36 = tpu.memref_slice %arg8[%dma_start3A_30, %dma_start3A_35] : memref<4x128xi32, #tpu.memory_space<vmem>> -> memref<1x128xi32, #tpu.memory_space<vmem>>
    %dma_start3A_37 = tpu.memref_squeeze %dma_start3A_36 : memref<1x128xi32, #tpu.memory_space<vmem>> -> memref<128xi32, #tpu.memory_space<vmem>>
    %dma_start3A_38 = arith.constant 0 : i32
    %dma_start3A_39 = tpu.memref_slice %arg2[%dma_start3A_38] : memref<100000xi32, #tpu.memory_space<hbm>> -> memref<100000xi32, #tpu.memory_space<hbm>>
    tpu.enqueue_indirect_dma source(%dma_start3A_39 : memref<100000xi32, #tpu.memory_space<hbm>>) target(%dma_start3A_34 : memref<128xi32, #tpu.memory_space<vmem>>) offsets(%dma_start3A_37 : memref<128xi32, #tpu.memory_space<vmem>>) semaphore(%arg11 : memref<!tpu.dma_semaphore, #tpu.memory_space<semaphore_mem>>)
    %dma_start3A_40 = arith.constant 2 : i32
    %dma_start3A_41 = arith.constant 2 : i32
    %dma_start3A_42 = arith.constant 0 : i32
    %dma_start3A_43 = tpu.memref_slice %arg9[%dma_start3A_41, %dma_start3A_42] : memref<4x128xi32, #tpu.memory_space<vmem>> -> memref<1x128xi32, #tpu.memory_space<vmem>>
    %dma_start3A_44 = tpu.memref_squeeze %dma_start3A_43 : memref<1x128xi32, #tpu.memory_space<vmem>> -> memref<128xi32, #tpu.memory_space<vmem>>
    %dma_start3A_45 = arith.constant 0 : i32
    %dma_start3A_46 = tpu.memref_slice %arg7[%dma_start3A_40, %dma_start3A_45] : memref<4x128xi32, #tpu.memory_space<vmem>> -> memref<1x128xi32, #tpu.memory_space<vmem>>
    %dma_start3A_47 = tpu.memref_squeeze %dma_start3A_46 : memref<1x128xi32, #tpu.memory_space<vmem>> -> memref<128xi32, #tpu.memory_space<vmem>>
    %dma_start3A_48 = arith.constant 0 : i32
    %dma_start3A_49 = tpu.memref_slice %arg2[%dma_start3A_48] : memref<100000xi32, #tpu.memory_space<hbm>> -> memref<100000xi32, #tpu.memory_space<hbm>>
    tpu.enqueue_indirect_dma source(%dma_start3A_49 : memref<100000xi32, #tpu.memory_space<hbm>>) target(%dma_start3A_44 : memref<128xi32, #tpu.memory_space<vmem>>) offsets(%dma_start3A_47 : memref<128xi32, #tpu.memory_space<vmem>>) semaphore(%arg11 : memref<!tpu.dma_semaphore, #tpu.memory_space<semaphore_mem>>)
    %dma_start3A_50 = arith.constant 2 : i32
    %dma_start3A_51 = arith.constant 2 : i32
    %dma_start3A_52 = arith.constant 0 : i32
    %dma_start3A_53 = tpu.memref_slice %arg10[%dma_start3A_51, %dma_start3A_52] : memref<4x128xi32, #tpu.memory_space<vmem>> -> memref<1x128xi32, #tpu.memory_space<vmem>>
    %dma_start3A_54 = tpu.memref_squeeze %dma_start3A_53 : memref<1x128xi32, #tpu.memory_space<vmem>> -> memref<128xi32, #tpu.memory_space<vmem>>
    %dma_start3A_55 = arith.constant 0 : i32
    %dma_start3A_56 = tpu.memref_slice %arg8[%dma_start3A_50, %dma_start3A_55] : memref<4x128xi32, #tpu.memory_space<vmem>> -> memref<1x128xi32, #tpu.memory_space<vmem>>
    %dma_start3A_57 = tpu.memref_squeeze %dma_start3A_56 : memref<1x128xi32, #tpu.memory_space<vmem>> -> memref<128xi32, #tpu.memory_space<vmem>>
    %dma_start3A_58 = arith.constant 0 : i32
    %dma_start3A_59 = tpu.memref_slice %arg2[%dma_start3A_58] : memref<100000xi32, #tpu.memory_space<hbm>> -> memref<100000xi32, #tpu.memory_space<hbm>>
    tpu.enqueue_indirect_dma source(%dma_start3A_59 : memref<100000xi32, #tpu.memory_space<hbm>>) target(%dma_start3A_54 : memref<128xi32, #tpu.memory_space<vmem>>) offsets(%dma_start3A_57 : memref<128xi32, #tpu.memory_space<vmem>>) semaphore(%arg11 : memref<!tpu.dma_semaphore, #tpu.memory_space<semaphore_mem>>)
    %dma_start3A_60 = arith.constant 3 : i32
    %dma_start3A_61 = arith.constant 3 : i32
    %dma_start3A_62 = arith.constant 0 : i32
    %dma_start3A_63 = tpu.memref_slice %arg9[%dma_start3A_61, %dma_start3A_62] : memref<4x128xi32, #tpu.memory_space<vmem>> -> memref<1x128xi32, #tpu.memory_space<vmem>>
    %dma_start3A_64 = tpu.memref_squeeze %dma_start3A_63 : memref<1x128xi32, #tpu.memory_space<vmem>> -> memref<128xi32, #tpu.memory_space<vmem>>
    %dma_start3A_65 = arith.constant 0 : i32
    %dma_start3A_66 = tpu.memref_slice %arg7[%dma_start3A_60, %dma_start3A_65] : memref<4x128xi32, #tpu.memory_space<vmem>> -> memref<1x128xi32, #tpu.memory_space<vmem>>
    %dma_start3A_67 = tpu.memref_squeeze %dma_start3A_66 : memref<1x128xi32, #tpu.memory_space<vmem>> -> memref<128xi32, #tpu.memory_space<vmem>>
    %dma_start3A_68 = arith.constant 0 : i32
    %dma_start3A_69 = tpu.memref_slice %arg2[%dma_start3A_68] : memref<100000xi32, #tpu.memory_space<hbm>> -> memref<100000xi32, #tpu.memory_space<hbm>>
    tpu.enqueue_indirect_dma source(%dma_start3A_69 : memref<100000xi32, #tpu.memory_space<hbm>>) target(%dma_start3A_64 : memref<128xi32, #tpu.memory_space<vmem>>) offsets(%dma_start3A_67 : memref<128xi32, #tpu.memory_space<vmem>>) semaphore(%arg11 : memref<!tpu.dma_semaphore, #tpu.memory_space<semaphore_mem>>)
    %dma_start3A_70 = arith.constant 3 : i32
    %dma_start3A_71 = arith.constant 3 : i32
    %dma_start3A_72 = arith.constant 0 : i32
    %dma_start3A_73 = tpu.memref_slice %arg10[%dma_start3A_71, %dma_start3A_72] : memref<4x128xi32, #tpu.memory_space<vmem>> -> memref<1x128xi32, #tpu.memory_space<vmem>>
    %dma_start3A_74 = tpu.memref_squeeze %dma_start3A_73 : memref<1x128xi32, #tpu.memory_space<vmem>> -> memref<128xi32, #tpu.memory_space<vmem>>
    %dma_start3A_75 = arith.constant 0 : i32
    %dma_start3A_76 = tpu.memref_slice %arg8[%dma_start3A_70, %dma_start3A_75] : memref<4x128xi32, #tpu.memory_space<vmem>> -> memref<1x128xi32, #tpu.memory_space<vmem>>
    %dma_start3A_77 = tpu.memref_squeeze %dma_start3A_76 : memref<1x128xi32, #tpu.memory_space<vmem>> -> memref<128xi32, #tpu.memory_space<vmem>>
    %dma_start3A_78 = arith.constant 0 : i32
    %dma_start3A_79 = tpu.memref_slice %arg2[%dma_start3A_78] : memref<100000xi32, #tpu.memory_space<hbm>> -> memref<100000xi32, #tpu.memory_space<hbm>>
    tpu.enqueue_indirect_dma source(%dma_start3A_79 : memref<100000xi32, #tpu.memory_space<hbm>>) target(%dma_start3A_74 : memref<128xi32, #tpu.memory_space<vmem>>) offsets(%dma_start3A_77 : memref<128xi32, #tpu.memory_space<vmem>>) semaphore(%arg11 : memref<!tpu.dma_semaphore, #tpu.memory_space<semaphore_mem>>)
    %dma_wait3A = arith.constant 0 : i32
    %dma_wait3A_80 = arith.constant 0 : i32
    %dma_wait3A_81 = arith.constant 0 : i32
    %dma_wait3A_82 = tpu.memref_slice %arg9[%dma_wait3A_80, %dma_wait3A_81] : memref<4x128xi32, #tpu.memory_space<vmem>> -> memref<1x128xi32, #tpu.memory_space<vmem>>
    %dma_wait3A_83 = tpu.memref_squeeze %dma_wait3A_82 : memref<1x128xi32, #tpu.memory_space<vmem>> -> memref<128xi32, #tpu.memory_space<vmem>>
    %dma_wait3A_84 = arith.constant 0 : i32
    %dma_wait3A_85 = tpu.memref_slice %arg7[%dma_wait3A, %dma_wait3A_84] : memref<4x128xi32, #tpu.memory_space<vmem>> -> memref<1x128xi32, #tpu.memory_space<vmem>>
    %dma_wait3A_86 = tpu.memref_squeeze %dma_wait3A_85 : memref<1x128xi32, #tpu.memory_space<vmem>> -> memref<128xi32, #tpu.memory_space<vmem>>
    %dma_wait3A_87 = arith.constant 0 : i32
    %dma_wait3A_88 = tpu.memref_slice %arg2[%dma_wait3A_87] : memref<100000xi32, #tpu.memory_space<hbm>> -> memref<100000xi32, #tpu.memory_space<hbm>>
    tpu.wait_indirect_dma semaphore(%arg11 : memref<!tpu.dma_semaphore, #tpu.memory_space<semaphore_mem>>) src(%dma_wait3A_88 : memref<100000xi32, #tpu.memory_space<hbm>>) dst(%dma_wait3A_83 : memref<128xi32, #tpu.memory_space<vmem>>)
    %dma_wait3A_89 = arith.constant 0 : i32
    %dma_wait3A_90 = arith.constant 0 : i32
    %dma_wait3A_91 = arith.constant 0 : i32
    %dma_wait3A_92 = tpu.memref_slice %arg10[%dma_wait3A_90, %dma_wait3A_91] : memref<4x128xi32, #tpu.memory_space<vmem>> -> memref<1x128xi32, #tpu.memory_space<vmem>>
    %dma_wait3A_93 = tpu.memref_squeeze %dma_wait3A_92 : memref<1x128xi32, #tpu.memory_space<vmem>> -> memref<128xi32, #tpu.memory_space<vmem>>
    %dma_wait3A_94 = arith.constant 0 : i32
    %dma_wait3A_95 = tpu.memref_slice %arg8[%dma_wait3A_89, %dma_wait3A_94] : memref<4x128xi32, #tpu.memory_space<vmem>> -> memref<1x128xi32, #tpu.memory_space<vmem>>
    %dma_wait3A_96 = tpu.memref_squeeze %dma_wait3A_95 : memref<1x128xi32, #tpu.memory_space<vmem>> -> memref<128xi32, #tpu.memory_space<vmem>>
    %dma_wait3A_97 = arith.constant 0 : i32
    %dma_wait3A_98 = tpu.memref_slice %arg2[%dma_wait3A_97] : memref<100000xi32, #tpu.memory_space<hbm>> -> memref<100000xi32, #tpu.memory_space<hbm>>
    tpu.wait_indirect_dma semaphore(%arg11 : memref<!tpu.dma_semaphore, #tpu.memory_space<semaphore_mem>>) src(%dma_wait3A_98 : memref<100000xi32, #tpu.memory_space<hbm>>) dst(%dma_wait3A_93 : memref<128xi32, #tpu.memory_space<vmem>>)
    %dma_wait3A_99 = arith.constant 1 : i32
    %dma_wait3A_100 = arith.constant 1 : i32
    %dma_wait3A_101 = arith.constant 0 : i32
    %dma_wait3A_102 = tpu.memref_slice %arg9[%dma_wait3A_100, %dma_wait3A_101] : memref<4x128xi32, #tpu.memory_space<vmem>> -> memref<1x128xi32, #tpu.memory_space<vmem>>
    %dma_wait3A_103 = tpu.memref_squeeze %dma_wait3A_102 : memref<1x128xi32, #tpu.memory_space<vmem>> -> memref<128xi32, #tpu.memory_space<vmem>>
    %dma_wait3A_104 = arith.constant 0 : i32
    %dma_wait3A_105 = tpu.memref_slice %arg7[%dma_wait3A_99, %dma_wait3A_104] : memref<4x128xi32, #tpu.memory_space<vmem>> -> memref<1x128xi32, #tpu.memory_space<vmem>>
    %dma_wait3A_106 = tpu.memref_squeeze %dma_wait3A_105 : memref<1x128xi32, #tpu.memory_space<vmem>> -> memref<128xi32, #tpu.memory_space<vmem>>
    %dma_wait3A_107 = arith.constant 0 : i32
    %dma_wait3A_108 = tpu.memref_slice %arg2[%dma_wait3A_107] : memref<100000xi32, #tpu.memory_space<hbm>> -> memref<100000xi32, #tpu.memory_space<hbm>>
    tpu.wait_indirect_dma semaphore(%arg11 : memref<!tpu.dma_semaphore, #tpu.memory_space<semaphore_mem>>) src(%dma_wait3A_108 : memref<100000xi32, #tpu.memory_space<hbm>>) dst(%dma_wait3A_103 : memref<128xi32, #tpu.memory_space<vmem>>)
    %dma_wait3A_109 = arith.constant 1 : i32
    %dma_wait3A_110 = arith.constant 1 : i32
    %dma_wait3A_111 = arith.constant 0 : i32
    %dma_wait3A_112 = tpu.memref_slice %arg10[%dma_wait3A_110, %dma_wait3A_111] : memref<4x128xi32, #tpu.memory_space<vmem>> -> memref<1x128xi32, #tpu.memory_space<vmem>>
    %dma_wait3A_113 = tpu.memref_squeeze %dma_wait3A_112 : memref<1x128xi32, #tpu.memory_space<vmem>> -> memref<128xi32, #tpu.memory_space<vmem>>
    %dma_wait3A_114 = arith.constant 0 : i32
    %dma_wait3A_115 = tpu.memref_slice %arg8[%dma_wait3A_109, %dma_wait3A_114] : memref<4x128xi32, #tpu.memory_space<vmem>> -> memref<1x128xi32, #tpu.memory_space<vmem>>
    %dma_wait3A_116 = tpu.memref_squeeze %dma_wait3A_115 : memref<1x128xi32, #tpu.memory_space<vmem>> -> memref<128xi32, #tpu.memory_space<vmem>>
    %dma_wait3A_117 = arith.constant 0 : i32
    %dma_wait3A_118 = tpu.memref_slice %arg2[%dma_wait3A_117] : memref<100000xi32, #tpu.memory_space<hbm>> -> memref<100000xi32, #tpu.memory_space<hbm>>
    tpu.wait_indirect_dma semaphore(%arg11 : memref<!tpu.dma_semaphore, #tpu.memory_space<semaphore_mem>>) src(%dma_wait3A_118 : memref<100000xi32, #tpu.memory_space<hbm>>) dst(%dma_wait3A_113 : memref<128xi32, #tpu.memory_space<vmem>>)
    %dma_wait3A_119 = arith.constant 2 : i32
    %dma_wait3A_120 = arith.constant 2 : i32
    %dma_wait3A_121 = arith.constant 0 : i32
    %dma_wait3A_122 = tpu.memref_slice %arg9[%dma_wait3A_120, %dma_wait3A_121] : memref<4x128xi32, #tpu.memory_space<vmem>> -> memref<1x128xi32, #tpu.memory_space<vmem>>
    %dma_wait3A_123 = tpu.memref_squeeze %dma_wait3A_122 : memref<1x128xi32, #tpu.memory_space<vmem>> -> memref<128xi32, #tpu.memory_space<vmem>>
    %dma_wait3A_124 = arith.constant 0 : i32
    %dma_wait3A_125 = tpu.memref_slice %arg7[%dma_wait3A_119, %dma_wait3A_124] : memref<4x128xi32, #tpu.memory_space<vmem>> -> memref<1x128xi32, #tpu.memory_space<vmem>>
    %dma_wait3A_126 = tpu.memref_squeeze %dma_wait3A_125 : memref<1x128xi32, #tpu.memory_space<vmem>> -> memref<128xi32, #tpu.memory_space<vmem>>
    %dma_wait3A_127 = arith.constant 0 : i32
    %dma_wait3A_128 = tpu.memref_slice %arg2[%dma_wait3A_127] : memref<100000xi32, #tpu.memory_space<hbm>> -> memref<100000xi32, #tpu.memory_space<hbm>>
    tpu.wait_indirect_dma semaphore(%arg11 : memref<!tpu.dma_semaphore, #tpu.memory_space<semaphore_mem>>) src(%dma_wait3A_128 : memref<100000xi32, #tpu.memory_space<hbm>>) dst(%dma_wait3A_123 : memref<128xi32, #tpu.memory_space<vmem>>)
    %dma_wait3A_129 = arith.constant 2 : i32
    %dma_wait3A_130 = arith.constant 2 : i32
    %dma_wait3A_131 = arith.constant 0 : i32
    %dma_wait3A_132 = tpu.memref_slice %arg10[%dma_wait3A_130, %dma_wait3A_131] : memref<4x128xi32, #tpu.memory_space<vmem>> -> memref<1x128xi32, #tpu.memory_space<vmem>>
    %dma_wait3A_133 = tpu.memref_squeeze %dma_wait3A_132 : memref<1x128xi32, #tpu.memory_space<vmem>> -> memref<128xi32, #tpu.memory_space<vmem>>
    %dma_wait3A_134 = arith.constant 0 : i32
    %dma_wait3A_135 = tpu.memref_slice %arg8[%dma_wait3A_129, %dma_wait3A_134] : memref<4x128xi32, #tpu.memory_space<vmem>> -> memref<1x128xi32, #tpu.memory_space<vmem>>
    %dma_wait3A_136 = tpu.memref_squeeze %dma_wait3A_135 : memref<1x128xi32, #tpu.memory_space<vmem>> -> memref<128xi32, #tpu.memory_space<vmem>>
    %dma_wait3A_137 = arith.constant 0 : i32
    %dma_wait3A_138 = tpu.memref_slice %arg2[%dma_wait3A_137] : memref<100000xi32, #tpu.memory_space<hbm>> -> memref<100000xi32, #tpu.memory_space<hbm>>
    tpu.wait_indirect_dma semaphore(%arg11 : memref<!tpu.dma_semaphore, #tpu.memory_space<semaphore_mem>>) src(%dma_wait3A_138 : memref<100000xi32, #tpu.memory_space<hbm>>) dst(%dma_wait3A_133 : memref<128xi32, #tpu.memory_space<vmem>>)
    %dma_wait3A_139 = arith.constant 3 : i32
    %dma_wait3A_140 = arith.constant 3 : i32
    %dma_wait3A_141 = arith.constant 0 : i32
    %dma_wait3A_142 = tpu.memref_slice %arg9[%dma_wait3A_140, %dma_wait3A_141] : memref<4x128xi32, #tpu.memory_space<vmem>> -> memref<1x128xi32, #tpu.memory_space<vmem>>
    %dma_wait3A_143 = tpu.memref_squeeze %dma_wait3A_142 : memref<1x128xi32, #tpu.memory_space<vmem>> -> memref<128xi32, #tpu.memory_space<vmem>>
    %dma_wait3A_144 = arith.constant 0 : i32
    %dma_wait3A_145 = tpu.memref_slice %arg7[%dma_wait3A_139, %dma_wait3A_144] : memref<4x128xi32, #tpu.memory_space<vmem>> -> memref<1x128xi32, #tpu.memory_space<vmem>>
    %dma_wait3A_146 = tpu.memref_squeeze %dma_wait3A_145 : memref<1x128xi32, #tpu.memory_space<vmem>> -> memref<128xi32, #tpu.memory_space<vmem>>
    %dma_wait3A_147 = arith.constant 0 : i32
    %dma_wait3A_148 = tpu.memref_slice %arg2[%dma_wait3A_147] : memref<100000xi32, #tpu.memory_space<hbm>> -> memref<100000xi32, #tpu.memory_space<hbm>>
    tpu.wait_indirect_dma semaphore(%arg11 : memref<!tpu.dma_semaphore, #tpu.memory_space<semaphore_mem>>) src(%dma_wait3A_148 : memref<100000xi32, #tpu.memory_space<hbm>>) dst(%dma_wait3A_143 : memref<128xi32, #tpu.memory_space<vmem>>)
    %dma_wait3A_149 = arith.constant 3 : i32
    %dma_wait3A_150 = arith.constant 3 : i32
    %dma_wait3A_151 = arith.constant 0 : i32
    %dma_wait3A_152 = tpu.memref_slice %arg10[%dma_wait3A_150, %dma_wait3A_151] : memref<4x128xi32, #tpu.memory_space<vmem>> -> memref<1x128xi32, #tpu.memory_space<vmem>>
    %dma_wait3A_153 = tpu.memref_squeeze %dma_wait3A_152 : memref<1x128xi32, #tpu.memory_space<vmem>> -> memref<128xi32, #tpu.memory_space<vmem>>
    %dma_wait3A_154 = arith.constant 0 : i32
    %dma_wait3A_155 = tpu.memref_slice %arg8[%dma_wait3A_149, %dma_wait3A_154] : memref<4x128xi32, #tpu.memory_space<vmem>> -> memref<1x128xi32, #tpu.memory_space<vmem>>
    %dma_wait3A_156 = tpu.memref_squeeze %dma_wait3A_155 : memref<1x128xi32, #tpu.memory_space<vmem>> -> memref<128xi32, #tpu.memory_space<vmem>>
    %dma_wait3A_157 = arith.constant 0 : i32
    %dma_wait3A_158 = tpu.memref_slice %arg2[%dma_wait3A_157] : memref<100000xi32, #tpu.memory_space<hbm>> -> memref<100000xi32, #tpu.memory_space<hbm>>
    tpu.wait_indirect_dma semaphore(%arg11 : memref<!tpu.dma_semaphore, #tpu.memory_space<semaphore_mem>>) src(%dma_wait3A_158 : memref<100000xi32, #tpu.memory_space<hbm>>) dst(%dma_wait3A_153 : memref<128xi32, #tpu.memory_space<vmem>>)
    "tpu.region"() ({
      %run_scoped3A = tpu.sem_alloc : memref<!tpu.dma_semaphore, #tpu.memory_space<semaphore_mem>>
      %dma_start3A_159 = arith.constant 0 : i32
      %dma_start3A_160 = arith.constant 0 : i32
      %dma_start3A_161 = tpu.memref_slice %arg5[%add3A, %dma_start3A_159, %dma_start3A_160] : memref<32x4x128xi32, #tpu.memory_space<hbm>> -> memref<1x4x128xi32, #tpu.memory_space<hbm>>
      %dma_start3A_162 = tpu.memref_squeeze %dma_start3A_161 : memref<1x4x128xi32, #tpu.memory_space<hbm>> -> memref<4x128xi32, #tpu.memory_space<hbm>>
      %dma_start3A_163 = arith.constant 0 : i32
      %dma_start3A_164 = arith.constant 0 : i32
      %dma_start3A_165 = tpu.memref_slice %arg5[%add3A, %dma_start3A_163, %dma_start3A_164] : memref<32x4x128xi32, #tpu.memory_space<hbm>> -> memref<1x4x128xi32, #tpu.memory_space<hbm>>
      %dma_start3A_166 = tpu.memref_squeeze %dma_start3A_165 : memref<1x4x128xi32, #tpu.memory_space<hbm>> -> memref<4x128xi32, #tpu.memory_space<hbm>>
      tpu.enqueue_dma source(%arg9 : memref<4x128xi32, #tpu.memory_space<vmem>>) target(%dma_start3A_166 : memref<4x128xi32, #tpu.memory_space<hbm>>) target_semaphore(%run_scoped3A : memref<!tpu.dma_semaphore, #tpu.memory_space<semaphore_mem>>)
      %dma_wait3A_167 = arith.constant 0 : i32
      %dma_wait3A_168 = arith.constant 0 : i32
      %dma_wait3A_169 = tpu.memref_slice %arg5[%add3A, %dma_wait3A_167, %dma_wait3A_168] : memref<32x4x128xi32, #tpu.memory_space<hbm>> -> memref<1x4x128xi32, #tpu.memory_space<hbm>>
      %dma_wait3A_170 = tpu.memref_squeeze %dma_wait3A_169 : memref<1x4x128xi32, #tpu.memory_space<hbm>> -> memref<4x128xi32, #tpu.memory_space<hbm>>
      %dma_wait3A_171 = arith.constant 0 : i32
      %dma_wait3A_172 = arith.constant 0 : i32
      %dma_wait3A_173 = tpu.memref_slice %arg5[%add3A, %dma_wait3A_171, %dma_wait3A_172] : memref<32x4x128xi32, #tpu.memory_space<hbm>> -> memref<1x4x128xi32, #tpu.memory_space<hbm>>
      %dma_wait3A_174 = tpu.memref_squeeze %dma_wait3A_173 : memref<1x4x128xi32, #tpu.memory_space<hbm>> -> memref<4x128xi32, #tpu.memory_space<hbm>>
      tpu.wait_dma2 semaphore(%run_scoped3A : memref<!tpu.dma_semaphore, #tpu.memory_space<semaphore_mem>>) src(%arg9 : memref<4x128xi32, #tpu.memory_space<vmem>>) dst(%dma_wait3A_174 : memref<4x128xi32, #tpu.memory_space<hbm>>)
      tpu.yield
    }) : () -> ()
    "tpu.region"() ({
      %run_scoped3A = tpu.sem_alloc : memref<!tpu.dma_semaphore, #tpu.memory_space<semaphore_mem>>
      %dma_start3A_159 = arith.constant 0 : i32
      %dma_start3A_160 = arith.constant 0 : i32
      %dma_start3A_161 = tpu.memref_slice %arg6[%add3A, %dma_start3A_159, %dma_start3A_160] : memref<32x4x128xi32, #tpu.memory_space<hbm>> -> memref<1x4x128xi32, #tpu.memory_space<hbm>>
      %dma_start3A_162 = tpu.memref_squeeze %dma_start3A_161 : memref<1x4x128xi32, #tpu.memory_space<hbm>> -> memref<4x128xi32, #tpu.memory_space<hbm>>
      %dma_start3A_163 = arith.constant 0 : i32
      %dma_start3A_164 = arith.constant 0 : i32
      %dma_start3A_165 = tpu.memref_slice %arg6[%add3A, %dma_start3A_163, %dma_start3A_164] : memref<32x4x128xi32, #tpu.memory_space<hbm>> -> memref<1x4x128xi32, #tpu.memory_space<hbm>>
      %dma_start3A_166 = tpu.memref_squeeze %dma_start3A_165 : memref<1x4x128xi32, #tpu.memory_space<hbm>> -> memref<4x128xi32, #tpu.memory_space<hbm>>
      tpu.enqueue_dma source(%arg10 : memref<4x128xi32, #tpu.memory_space<vmem>>) target(%dma_start3A_166 : memref<4x128xi32, #tpu.memory_space<hbm>>) target_semaphore(%run_scoped3A : memref<!tpu.dma_semaphore, #tpu.memory_space<semaphore_mem>>)
      %dma_wait3A_167 = arith.constant 0 : i32
      %dma_wait3A_168 = arith.constant 0 : i32
      %dma_wait3A_169 = tpu.memref_slice %arg6[%add3A, %dma_wait3A_167, %dma_wait3A_168] : memref<32x4x128xi32, #tpu.memory_space<hbm>> -> memref<1x4x128xi32, #tpu.memory_space<hbm>>
      %dma_wait3A_170 = tpu.memref_squeeze %dma_wait3A_169 : memref<1x4x128xi32, #tpu.memory_space<hbm>> -> memref<4x128xi32, #tpu.memory_space<hbm>>
      %dma_wait3A_171 = arith.constant 0 : i32
      %dma_wait3A_172 = arith.constant 0 : i32
      %dma_wait3A_173 = tpu.memref_slice %arg6[%add3A, %dma_wait3A_171, %dma_wait3A_172] : memref<32x4x128xi32, #tpu.memory_space<hbm>> -> memref<1x4x128xi32, #tpu.memory_space<hbm>>
      %dma_wait3A_174 = tpu.memref_squeeze %dma_wait3A_173 : memref<1x4x128xi32, #tpu.memory_space<hbm>> -> memref<4x128xi32, #tpu.memory_space<hbm>>
      tpu.wait_dma2 semaphore(%run_scoped3A : memref<!tpu.dma_semaphore, #tpu.memory_space<semaphore_mem>>) src(%arg10 : memref<4x128xi32, #tpu.memory_space<vmem>>) dst(%dma_wait3A_174 : memref<4x128xi32, #tpu.memory_space<hbm>>)
      tpu.yield
    }) : () -> ()
    return
  }
}

module attributes {stable_mosaic.version = 14 : i64} {
  func.func @_mlp_body(%arg0: i32, %arg1: memref<4096x128xf32, #tpu.memory_space<vmem>>, %arg2: memref<4096x128xf32, #tpu.memory_space<vmem>>, %arg3: memref<128x64xf32, #tpu.memory_space<vmem>>, %arg4: memref<128x64xf32, #tpu.memory_space<vmem>>, %arg5: memref<1x64xf32, #tpu.memory_space<vmem>>, %arg6: memref<64x1xf32, #tpu.memory_space<vmem>>, %arg7: memref<1x1xf32, #tpu.memory_space<vmem>>, %arg8: memref<32x128xf32, #tpu.memory_space<vmem>>) attributes {dimension_semantics = [#tpu.dimension_semantics<arbitrary>], iteration_bounds = array<i64: 4>, scalar_prefetch = 0 : i64, scratch_operands = 0 : i64, tpu.core_type = #tpu.core_type<tc>, window_params = [{transform_indices = @transform_0, window_bounds = array<i64: 4096, 128>}, {transform_indices = @transform_1, window_bounds = array<i64: 4096, 128>}, {pipeline_mode = #tpu.pipeline_mode<synchronous>, transform_indices = @transform_2, window_bounds = array<i64: 128, 64>}, {pipeline_mode = #tpu.pipeline_mode<synchronous>, transform_indices = @transform_3, window_bounds = array<i64: 128, 64>}, {pipeline_mode = #tpu.pipeline_mode<synchronous>, transform_indices = @transform_4, window_bounds = array<i64: 1, 64>}, {pipeline_mode = #tpu.pipeline_mode<synchronous>, transform_indices = @transform_5, window_bounds = array<i64: 64, 1>}, {pipeline_mode = #tpu.pipeline_mode<synchronous>, transform_indices = @transform_6, window_bounds = array<i64: 1, 1>}, {transform_indices = @transform_7, window_bounds = array<i64: 32, 128>}]} {
    %get3A = arith.constant 0 : index
    %get3A_0 = arith.constant 0 : index
    %get3A_1 = vector.load %arg1[%get3A, %get3A_0] : memref<4096x128xf32, #tpu.memory_space<vmem>>, vector<4096x128xf32>
    %get3A_2 = arith.constant 0 : index
    %get3A_3 = arith.constant 0 : index
    %get3A_4 = vector.load %arg3[%get3A_2, %get3A_3] : memref<128x64xf32, #tpu.memory_space<vmem>>, vector<128x64xf32>
    %dot_general3A = arith.constant dense<0.000000e+00> : vector<4096x64xf32>
    %dot_general3A_5 = tpu.matmul %get3A_1, %get3A_4, %dot_general3A {dimension_numbers = #tpu.dot_dimension_numbers<[1], [0], [0], [1], [0, 0, 1, 1], [], []>, transpose_lhs_hint = false} : vector<4096x128xf32>, vector<128x64xf32>, vector<4096x64xf32> -> vector<4096x64xf32>
    %get3A_6 = arith.constant 0 : index
    %get3A_7 = arith.constant 0 : index
    %get3A_8 = vector.load %arg2[%get3A_6, %get3A_7] : memref<4096x128xf32, #tpu.memory_space<vmem>>, vector<4096x128xf32>
    %get3A_9 = arith.constant 0 : index
    %get3A_10 = arith.constant 0 : index
    %get3A_11 = vector.load %arg4[%get3A_9, %get3A_10] : memref<128x64xf32, #tpu.memory_space<vmem>>, vector<128x64xf32>
    %dot_general3A_12 = arith.constant dense<0.000000e+00> : vector<4096x64xf32>
    %dot_general3A_13 = tpu.matmul %get3A_8, %get3A_11, %dot_general3A_12 {dimension_numbers = #tpu.dot_dimension_numbers<[1], [0], [0], [1], [0, 0, 1, 1], [], []>, transpose_lhs_hint = false} : vector<4096x128xf32>, vector<128x64xf32>, vector<4096x64xf32> -> vector<4096x64xf32>
    %add3A = arith.addf %dot_general3A_5, %dot_general3A_13 : vector<4096x64xf32>
    %get3A_14 = arith.constant 0 : index
    %get3A_15 = arith.constant 0 : index
    %get3A_16 = vector.load %arg5[%get3A_14, %get3A_15] : memref<1x64xf32, #tpu.memory_space<vmem>>, vector<1x64xf32>
    %add3A_17 = vector.broadcast %get3A_16 : vector<1x64xf32> to vector<4096x64xf32>
    %add3A_18 = arith.addf %add3A, %add3A_17 : vector<4096x64xf32>
    %max3A = arith.constant 0.000000e+00 : f32
    %max3A_19 = vector.broadcast %max3A : f32 to vector<4096x64xf32>
    %max3A_20 = arith.maximumf %add3A_18, %max3A_19 : vector<4096x64xf32>
    %get3A_21 = arith.constant 0 : index
    %get3A_22 = arith.constant 0 : index
    %get3A_23 = vector.load %arg6[%get3A_21, %get3A_22] : memref<64x1xf32, #tpu.memory_space<vmem>>, vector<64x1xf32>
    %dot_general3A_24 = arith.constant dense<0.000000e+00> : vector<4096x1xf32>
    %dot_general3A_25 = tpu.matmul %max3A_20, %get3A_23, %dot_general3A_24 {dimension_numbers = #tpu.dot_dimension_numbers<[1], [0], [0], [1], [0, 0, 1, 1], [], []>, transpose_lhs_hint = false} : vector<4096x64xf32>, vector<64x1xf32>, vector<4096x1xf32> -> vector<4096x1xf32>
    %get3A_26 = arith.constant 0 : index
    %get3A_27 = arith.constant 0 : index
    %get3A_28 = vector.load %arg7[%get3A_26, %get3A_27] : memref<1x1xf32, #tpu.memory_space<vmem>>, vector<1x1xf32>
    %add3A_29 = vector.broadcast %get3A_28 : vector<1x1xf32> to vector<4096x1xf32>
    %add3A_30 = arith.addf %dot_general3A_25, %add3A_29 : vector<4096x1xf32>
    %logistic3A = arith.negf %add3A_30 : vector<4096x1xf32>
    %logistic3A_31 = math.exp %logistic3A : vector<4096x1xf32>
    %logistic3A_32 = arith.constant 1.000000e+00 : f32
    %logistic3A_33 = vector.broadcast %logistic3A_32 : f32 to vector<4096x1xf32>
    %logistic3A_34 = arith.addf %logistic3A_33, %logistic3A_31 : vector<4096x1xf32>
    %logistic3A_35 = arith.divf %logistic3A_33, %logistic3A_34 : vector<4096x1xf32>
    %reshape3A = vector.shape_cast %logistic3A_35 : vector<4096x1xf32> to vector<32x128xf32>
    %swap3A = arith.constant 0 : index
    %swap3A_36 = arith.constant 0 : index
    %swap3A_37 = vector.load %arg8[%swap3A, %swap3A_36] : memref<32x128xf32, #tpu.memory_space<vmem>>, vector<32x128xf32>
    tpu.vector_store %arg8[%swap3A, %swap3A_36], %reshape3A {strides = array<i32>} : memref<32x128xf32, #tpu.memory_space<vmem>>, vector<32x128xf32>,
    return
  }
  func.func @transform_0(%arg0: i32) -> (i32, i32) {
    %c0_i32 = arith.constant 0 : i32
    %c0_i32_0 = arith.constant 0 : i32
    return %arg0, %c0_i32 : i32, i32
  }
  func.func @transform_1(%arg0: i32) -> (i32, i32) {
    %c0_i32 = arith.constant 0 : i32
    %c0_i32_0 = arith.constant 0 : i32
    return %arg0, %c0_i32 : i32, i32
  }
  func.func @transform_2(%arg0: i32) -> (i32, i32) {
    %c0_i32 = arith.constant 0 : i32
    %c0_i32_0 = arith.constant 0 : i32
    %c0_i32_1 = arith.constant 0 : i32
    return %c0_i32, %c0_i32_0 : i32, i32
  }
  func.func @transform_3(%arg0: i32) -> (i32, i32) {
    %c0_i32 = arith.constant 0 : i32
    %c0_i32_0 = arith.constant 0 : i32
    %c0_i32_1 = arith.constant 0 : i32
    return %c0_i32, %c0_i32_0 : i32, i32
  }
  func.func @transform_4(%arg0: i32) -> (i32, i32) {
    %c0_i32 = arith.constant 0 : i32
    %c0_i32_0 = arith.constant 0 : i32
    %c0_i32_1 = arith.constant 0 : i32
    return %c0_i32, %c0_i32_0 : i32, i32
  }
  func.func @transform_5(%arg0: i32) -> (i32, i32) {
    %c0_i32 = arith.constant 0 : i32
    %c0_i32_0 = arith.constant 0 : i32
    %c0_i32_1 = arith.constant 0 : i32
    return %c0_i32, %c0_i32_0 : i32, i32
  }
  func.func @transform_6(%arg0: i32) -> (i32, i32) {
    %c0_i32 = arith.constant 0 : i32
    %c0_i32_0 = arith.constant 0 : i32
    %c0_i32_1 = arith.constant 0 : i32
    return %c0_i32, %c0_i32_0 : i32, i32
  }
  func.func @transform_7(%arg0: i32) -> (i32, i32) {
    %c0_i32 = arith.constant 0 : i32
    %c0_i32_0 = arith.constant 0 : i32
    return %arg0, %c0_i32 : i32, i32
  }
}

module attributes {stable_mosaic.version = 14 : i64} {
  func.func @_build_body(%arg0: i32, %arg1: memref<64x8192xf32, #tpu.memory_space<vmem>>, %arg2: memref<64x8192xf32, #tpu.memory_space<vmem>>, %arg3: memref<64x64xf32, #tpu.memory_space<vmem>>, %arg4: memref<8192x128xf32, #tpu.memory_space<vmem>>) attributes {dimension_semantics = [#tpu.dimension_semantics<arbitrary>], iteration_bounds = array<i64: 13>, scalar_prefetch = 0 : i64, scratch_operands = 0 : i64, tpu.core_type = #tpu.core_type<tc>, window_params = [{transform_indices = @transform_0, window_bounds = array<i64: 64, 8192>}, {transform_indices = @transform_1, window_bounds = array<i64: 64, 8192>}, {pipeline_mode = #tpu.pipeline_mode<synchronous>, transform_indices = @transform_2, window_bounds = array<i64: 64, 64>}, {transform_indices = @transform_3, window_bounds = array<i64: 8192, 128>}]} {
    %get3A = arith.constant 0 : index
    %get3A_0 = arith.constant 0 : index
    %get3A_1 = vector.load %arg1[%get3A, %get3A_0] : memref<64x8192xf32, #tpu.memory_space<vmem>>, vector<64x8192xf32>
    %get3A_2 = arith.constant 0 : index
    %get3A_3 = arith.constant 0 : index
    %get3A_4 = vector.load %arg3[%get3A_2, %get3A_3] : memref<64x64xf32, #tpu.memory_space<vmem>>, vector<64x64xf32>
    %dot_general3A = arith.constant dense<0.000000e+00> : vector<8192x64xf32>
    %dot_general3A_5 = tpu.matmul %get3A_1, %get3A_4, %dot_general3A {dimension_numbers = #tpu.dot_dimension_numbers<[0], [0], [1], [1], [0, 1, 1, 1], [], []>, transpose_lhs_hint = false} : vector<64x8192xf32>, vector<64x64xf32>, vector<8192x64xf32> -> vector<8192x64xf32>
    %get3A_6 = arith.constant 0 : index
    %get3A_7 = arith.constant 0 : index
    %get3A_8 = vector.load %arg2[%get3A_6, %get3A_7] : memref<64x8192xf32, #tpu.memory_space<vmem>>, vector<64x8192xf32>
    %get3A_9 = arith.constant 0 : index
    %get3A_10 = arith.constant 0 : index
    %get3A_11 = vector.load %arg3[%get3A_9, %get3A_10] : memref<64x64xf32, #tpu.memory_space<vmem>>, vector<64x64xf32>
    %dot_general3A_12 = arith.constant dense<0.000000e+00> : vector<8192x64xf32>
    %dot_general3A_13 = tpu.matmul %get3A_8, %get3A_11, %dot_general3A_12 {dimension_numbers = #tpu.dot_dimension_numbers<[0], [0], [1], [1], [0, 1, 1, 1], [], []>, transpose_lhs_hint = false} : vector<64x8192xf32>, vector<64x64xf32>, vector<8192x64xf32> -> vector<8192x64xf32>
    %concatenate3A = tpu.concatenate %dot_general3A_5, %dot_general3A_13 in 1 : vector<8192x64xf32>, vector<8192x64xf32> -> vector<8192x128xf32>
    %swap3A = arith.constant 0 : index
    %swap3A_14 = arith.constant 0 : index
    %swap3A_15 = vector.load %arg4[%swap3A, %swap3A_14] : memref<8192x128xf32, #tpu.memory_space<vmem>>, vector<8192x128xf32>
    tpu.vector_store %arg4[%swap3A, %swap3A_14], %concatenate3A {strides = array<i32>} : memref<8192x128xf32, #tpu.memory_space<vmem>>, vector<8192x128xf32>,
    return
  }
  func.func @transform_0(%arg0: i32) -> (i32, i32) {
    %c0_i32 = arith.constant 0 : i32
    %c0_i32_0 = arith.constant 0 : i32
    return %c0_i32, %arg0 : i32, i32
  }
  func.func @transform_1(%arg0: i32) -> (i32, i32) {
    %c0_i32 = arith.constant 0 : i32
    %c0_i32_0 = arith.constant 0 : i32
    return %c0_i32, %arg0 : i32, i32
  }
  func.func @transform_2(%arg0: i32) -> (i32, i32) {
    %c0_i32 = arith.constant 0 : i32
    %c0_i32_0 = arith.constant 0 : i32
    %c0_i32_1 = arith.constant 0 : i32
    return %c0_i32, %c0_i32_0 : i32, i32
  }
  func.func @transform_3(%arg0: i32) -> (i32, i32) {
    %c0_i32 = arith.constant 0 : i32
    %c0_i32_0 = arith.constant 0 : i32
    return %arg0, %c0_i32 : i32, i32
  }
}

</mosaic_0001>

<sc_bundles>
// kernel: kernel.6.cloned.1.call-start
scs
__scs_entry_jumppad:
0x0: {  	(pc) =	sbr.rel $0x88, $3  }
0x1: {  	(tag) =	ssettag $0x0;
	lr =	simm.s32 $0x1  }
0x2: {  	[smem:$0x3F99] =	sst lr;
	_ =	strace $0xD0000000  }
0x3: {  	_ = 	snop  }
0x4: {  	_ = 	snop  }
0x5: {  	_ = 	snop  }
0x6: {  	_ = 	snop  }
0x7: {  	_ = 	snop  }
__scs_overlays_trampoline_lowered:
0x8: {  	[smem:$0x3FA8] =	sst s0  }
0x9: {  	[smem:$0x3FA9] =	sst s1  }
0xa: {  	[smem:$0x3FAA] =	sst s2  }
0xb: {  	[smem:$0x3FAB] =	sst s3  }
0xc: {  	[smem:$0x3FAC] =	sst s4  }
0xd: {  	[smem:$0x3FAD] =	sst s5  }
0xe: {  	[smem:$0x3FAE] =	sst s6  }
0xf: {  	[smem:$0x3FAF] =	sst s7  }
0x10: {  	[smem:$0x3FB0] =	sst s8  }
0x11: {  	[smem:$0x3FB1] =	sst s9;
	s0 =	simm.s32 @!p0 $0x0  }
0x12: {  	s1 =	sld [smem:$0x3F97];
	s0 =	simm.s32 @p0 $0x1  }
0x13: {  	[smem:$0x3FB2] =	sst s0;
	s0 =	simm.s32 @!p1 $0x0  }
0x14: {  	s2 =	sld [smem:$0x3F96];
	s0 =	simm.s32 @p1 $0x1  }
0x15: {  	[smem:$0x3FB3] =	sst s0;
	s0 =	simm.s32 @!p2 $0x0  }
0x16: {  	s3 =	sld [smem:$0x3FDB];
	s0 =	simm.s32 @p2 $0x1  }
0x17: {  	s4 =	simm.s32 $0x1BF5;
	[smem:$0x3FB5] =	sst s0  }
0x18: {  	s0 =	sld [smem:$0x3F98];
	_ =	swait.ge [sflag:s4], $0x0  }
0x19: {  	s7 =	sld [smem:$0x3F99]  }
0x1a: {  	s8 =	sadd.s32 $0xFFFFE003, lr  }
0x1b: {  	s9 =	sadd.s32 $0xFFFFFEF7, lr;
	s5 =	simm.s32 $0xFFFFFFFF;
	p2 =	slt.u32 s8, $0xFFFFF086  }
0x1c: {  	p1 =	slt.u32 s9, $0xF7A;
	s5 =	simm.s32 @!p2 $0x0  }
0x1d: {  	s5 =	simm.s32 @p1 $0x1;
	p0 =	seq.s32 s7, s2  }
0x1e: {  	s7 =	smul.u32 @!p0 $0xF7A, s2;
	p2 =	seq.s32 @!p0 s5, $0x0  }
0x1f: {  	s9 =	smul.u32 $0xF7A, s1;
	s8 =	simm.s32 @!p0 $0x1BF5;
	p2 =	por !p2, p0  }
0x20: {  	[sflag:s8] =	ssyncset.s32 @!p0 $0xFFFFF086;
	s6 =	sadd.s32 @!p0 s3, s7;
	s7 =	simm.s32 @!p0 $0x108  }
0x21: {  	s3 =	sadd.s32 s3, s9;
	s6 =	sadd.s32 @!p0 $0x88, s6;
	s7 =	simm.s32 @p2 $0x1082  }
0x22: {  	[simem:s7], [sflag:s8] =	dma.local @!p0 [hbm:s6], $0xF7A  }
0x23: {  	s9 =	sor.u32 $0xD0000000, s2;
	s6 =	simm.s32 $0x108;
	_ =	swait.ge @!p0 [sflag:s8], $0x0  }
0x24: {  	s3 =	sadd.s32 $0x88, s3;
	s6 =	simm.s32 @!p1 $0x1082;
	[sflag:s4] =	ssyncset.s32 $0xFFFFF086  }
0x25: {  	[simem:s6], [sflag:s4] =	dma.local [hbm:s3], $0xF7A  }
0x26: {  	[smem:$0x3F99] =	sst s1;
	(tag) =	ssettag s2;
	_ =	strace s9  }
0x27: {  	s1 =	sld [smem:$0x3FA9]  }
0x28: {  	s2 =	sld [smem:$0x3FAA]  }
0x29: {  	s4 =	sld [smem:$0x3FAC]  }
0x2a: {  	p0 =	seq.s32 s5, $0x0;
	s5 =	sld [smem:$0x3FAD]  }
0x2b: {  	s6 =	sld [smem:$0x3FAE]  }
0x2c: {  	s7 =	sld [smem:$0x3FAF]  }
0x2d: {  	s3 =	simm.s32 $0x108;
	s8 =	sld [smem:$0x3FB0]  }
0x2e: {  	s3 =	simm.s32 @!p0 $0x1082;
	s9 =	sld [smem:$0x3FB1]  }
0x2f: {  	lr =	sadd.s32 s0, s3;
	s0 =	sld [smem:$0x3FA8]  }
0x30: {  	s3 =	sld [smem:$0x3FAB]  }
0x31: {  	[smem:$0x3FB4] =	sst s10  }
0x32: {  	s10 =	sld [smem:$0x3FB2];
	_ =	sdelay $0x3  }
0x33: {  	p0 =	seq.s32 s10, $0x1;
	s10 =	sld [smem:$0x3FB4];
	_ =	sdelay $0x3  }
0x34: {  	[smem:$0x3FB4] =	sst s10  }
0x35: {  	s10 =	sld [smem:$0x3FB3];
	_ =	sdelay $0x3  }
0x36: {  	p1 =	seq.s32 s10, $0x1;
	s10 =	sld [smem:$0x3FB4];
	_ =	sdelay $0x3  }
0x37: {  	[smem:$0x3FB4] =	sst s10  }
0x38: {  	s10 =	sld [smem:$0x3FB5]  }
0x39: {  	_ = 	snop;
	(pc) =	sbr.ind lr, $3  }
0x3a: {  	_ = 	snop  }
0x3b: {  	_ = 	snop  }
0x3c: {  	p2 =	seq.s32 s10, $0x1;
	s10 =	sld [smem:$0x3FB4]  }
0x3d: {  	_ =	shalt  }
0x3e: {  	_ =	shalt  }
0x3f: {  	_ =	shalt  }
0x40: {  	_ =	shalt  }
0x41: {  	_ =	shalt  }
0x42: {  	_ =	shalt  }
0x43: {  	_ =	shalt  }
0x44: {  	_ =	shalt  }
0x45: {  	_ =	shalt  }
0x46: {  	_ =	shalt  }
0x47: {  	_ =	shalt  }
0x48: {  	_ =	shalt  }
0x49: {  	_ =	shalt  }
0x4a: {  	_ =	shalt  }
0x4b: {  	_ =	shalt  }
0x4c: {  	_ =	shalt  }
0x4d: {  	_ =	shalt  }
0x4e: {  	_ =	shalt  }
0x4f: {  	_ =	shalt  }
0x50: {  	_ =	shalt  }
0x51: {  	_ =	shalt  }
0x52: {  	_ =	shalt  }
0x53: {  	_ =	shalt  }
0x54: {  	_ =	shalt  }
0x55: {  	_ =	shalt  }
0x56: {  	_ =	shalt  }
0x57: {  	_ =	shalt  }
0x58: {  	_ =	shalt  }
0x59: {  	_ =	shalt  }
0x5a: {  	_ =	shalt  }
0x5b: {  	_ =	shalt  }
0x5c: {  	_ =	shalt  }
0x5d: {  	_ =	shalt  }
0x5e: {  	_ =	shalt  }
0x5f: {  	_ =	shalt  }
0x60: {  	_ =	shalt  }
0x61: {  	_ =	shalt  }
0x62: {  	_ =	shalt  }
0x63: {  	_ =	shalt  }
0x64: {  	_ =	shalt  }
0x65: {  	_ =	shalt  }
0x66: {  	_ =	shalt  }
0x67: {  	_ =	shalt  }
0x68: {  	_ =	shalt  }
0x69: {  	_ =	shalt  }
0x6a: {  	_ =	shalt  }
0x6b: {  	_ =	shalt  }
0x6c: {  	_ =	shalt  }
0x6d: {  	_ =	shalt  }
0x6e: {  	_ =	shalt  }
0x6f: {  	_ =	shalt  }
0x70: {  	_ =	shalt  }
0x71: {  	_ =	shalt  }
0x72: {  	_ =	shalt  }
0x73: {  	_ =	shalt  }
0x74: {  	_ =	shalt  }
0x75: {  	_ =	shalt  }
0x76: {  	_ =	shalt  }
0x77: {  	_ =	shalt  }
0x78: {  	_ =	shalt  }
0x79: {  	_ =	shalt  }
0x7a: {  	_ =	shalt  }
0x7b: {  	_ =	shalt  }
0x7c: {  	_ =	shalt  }
0x7d: {  	_ =	shalt  }
0x7e: {  	_ =	shalt  }
0x7f: {  	_ =	shalt  }
0x80: {  	_ =	shalt  }
0x81: {  	_ =	shalt  }
0x82: {  	_ =	shalt  }
0x83: {  	_ =	shalt  }
0x84: {  	_ =	shalt  }
0x85: {  	_ =	shalt  }
0x86: {  	_ =	shalt  }
0x87: {  	_ =	shalt  }
.Lfunc_end0:
.L_simem_size_0:
called_computation_lowered:
.L_overlay_start_0:
0x88: {  	s2 =	sld [smem:$0x3FD9]  }
0x89: {  	s3 =	sld [smem:$0x3FFE];
	_ =	sdelay $0x1  }
0x8a: {  	s1 =	srdreg.scid  }
0x8b: {  	s0 =	sand.u32 $0x1, s1  }
0x8c: {  	s17 =	sshll.u32 s0, $0xA;
	s2 =	sadd.s32 s3, s2  }
0x8d: {  	s2 =	sadd.s32 s2, s17  }
0x8e: {  	[smem:$0x3FC0] =	sst s2  }
0x8f: {  	_ = 	snop  }
0x90: {  	s2 =	sld [smem:$0x3FC9]  }
0x91: {  	s18 =	sld [smem:$0x3FD0];
	(tm) =	ssettm $0x1  }
0x92: {  	s4 =	sld [smem:$0x3FFB];
	_ =	sdelay $0x3  }
0x93: {  	_ =	strace s4  }
0x94: {  	s4 =	sld [smem:$0x3FFC];
	_ =	sdelay $0x3  }
0x95: {  	_ =	strace s4  }
0x96: {  	s4 =	sld [smem:$0x3FFD];
	_ =	sdelay $0x3  }
0x97: {  	_ =	strace s4  }
0x98: {  	_ =	strace $0x8FFFFFFF  }
0x99: {  	s19 =	sld [smem:$0x3FDB];
	_ =	sdelay $0x1  }
0x9a: {  	s5 =	simm.s32 $_scs_section_size  }
0x9b: {  	s6 =	simm.s32 $_size__tile_overlayer_lowered;
	s7 =	simm.s32 $_tile_overlayer_lowered  }
0x9c: {  	s22 =	simm.s32 $0x1BFF;
	s21 =	sshll.u32 s7, $0x1;
	s4 =	sadd.s32 s5, s19  }
0x9d: {  	s8 =	simm.s32 $0x0;
	s20 =	sshll.u32 s6, $0x1;
	s6 =	sadd.s32 s21, s4  }
0x9e: {  	[timem:s8], [sflag:s22] =	dma.local [hbm:s6], s20  }
0x9f: {  	_ =	swait.ge [sflag:s22], s20  }
0xa0: {  	s5 =	ssub.s32 $0x0, s20;
	[sflag:s22] =	ssyncset.done $0x0  }
0xa1: {  	[sflag:s22] =	ssyncadd.s32 s5;
	_ =	sdelay $0x1  }
0xa2: {  	s23 =	simm.s32 $0x1B8B  }
0xa3: {  	_ =	swait.ge [sflag:s23], $0x1  }
0xa4: {  	[sflag:s23] =	ssyncset.done $0x0  }
0xa5: {  	s25 =	simm.s32 $0x1B8E;
	s24 =	sld [smem:$0x3FFE];
	[sflag:s23] =	ssyncadd.s32 $0xFFFFFFFF  }
0xa6: {  	s26 =	simm.s32 $execute0_lowered;
	[smem:$0x3FD2] =	sst s25  }
0xa7: {  	s6 =	sshll.u32 s26, $0x1;
	_ =	strace $0x80000046;
	[dreg:$0x1] =	wrdreg $0xFFFFFFFF  }
0xa8: {  	s28 =	simm.s32 $_size_execute0_lowered;
	s4 =	sadd.s32 s4, s6;
	[dreg:$0x0] =	wrdreg $0x0  }
0xa9: {  	s6 =	sshll.u32 s28, $0x1;
	[dreg:$0x2] =	wrdreg s4  }
0xaa: {  	[dreg:$0x3] =	wrdreg s6  }
0xab: {  	[dreg:$0x4] =	wrdreg $0xC0  }
0xac: {  	_ =	task [dreg:s8], $0x5FFFF  }
0xad: {  	[dreg:$0x1] =	wrdreg $0xFFFFFFFF  }
0xae: {  	[dreg:$0x0] =	wrdreg $0x60  }
0xaf: {  	[dreg:$0x2] =	wrdreg s2  }
0xb0: {  	[dreg:$0x3] =	wrdreg s24  }
0xb1: {  	[dreg:$0x4] =	wrdreg s18  }
0xb2: {  	[dreg:$0x5] =	wrdreg $0x9  }
0xb3: {  	_ =	task.clear_ibuf [dreg:s8], $0x6FFFF;
	_ =	strace $0x90000046  }
0xb4: {  	s29 =	simm.s32 $0x9;
	_ =	strace $0x80000048  }
0xb5: {  	_ =	swait.ge [sflag:s29], $0x1  }
0xb6: {  	[sflag:s29] =	ssyncadd.s32 $0xFFFFFFFF  }
0xb7: {  	_ =	strace $0x90000048  }
0xb8: {  	_ =	sfence  }
0xb9: {  	s30 =	sld [smem:$0x0];
	_ =	sdelay $0x2  }
0xba: {  	s31 =	sshll.u32 s1, $0xD;
	s1 =	sshrl.u32 s1, $0x2  }
0xbb: {  	s3 =	sand.u32 $0x4000, s31;
	s1 =	sadd.s32 s1, s30  }
0xbc: {  	s0 =	sor.u32 s3, s0;
	s1 =	sshll.u32 s1, $0x11  }
0xbd: {  	s0 =	sor.u32 s1, s0  }
0xbe: {  	s0 =	sadd.s32 $0x8F2B, s0  }
0xbf: {  	[sflag:s0] =	ssyncadd.remote.s32 $0x1  }
0xc0: {  	_ =	sfence.sel $0xFFFF  }
0xc1: {  	[dreg:$0x0] =	wrdreg $0xFFFFFFFF;
	(pc) =	sbr.abs _section_cstart, $3  }
0xc2: {  	[dreg:$0x1] =	wrdreg $0xFFFFFFFF  }
0xc3: {  	_ =	task.clear_ibuf [dreg:s8], $0x2FFFF;
	_ =	strace $0x9FFFFFFF  }
0xc4: {  	(tm) =	ssettm $0x7FFFFFFF  }
0xc5: {  	_ =	shalt  }
tec
execute0_lowered:
.L_overlay_start_1:
0x0: {  	(tag) =	ssettag $0x1  }
0x1: {  	s1 =	rddreg [dreg:$0x0];
	s2 =	srdreg.scid  }
0x2: {  	s4 =	rddreg [dreg:$0x1];
	s0 =	stileid.u32;
	s23 =	sand.u32 $0x1, s2  }
0x3: {  	s6 =	rddreg [dreg:$0x2];
	s5 =	sshll.u32 s0, $0x7;
	s7 =	sshll.u32 s23, $0x6  }
0x4: {  	s3 =	simm.s32 $0x0;
	s2 =	rddreg [dreg:$0x3];
	s7 =	sor.u32 s7, s5  }
0x5: {  	[smem:$0x7FF] =	sst s3;
	s24 =	sadd.s32 s7, s4  }
0x6: {  	_ =	strace $0x80000047;
	s4 =	simm.s32 $0x2;
	s5 =	sadd.s32 $0x1E00, s24  }
0x7: {  	[tilespmem:s3], [sflag:$0x2] =	stream.linear.gather [hbm4b:s5+s3], $0x200, $0x38;
	[tilespmem:$0x800] =	vst v63  }
0x8: {  	_ =	swait.ge [sflag:s4], $0x200  }
0x9: {  	[sflag:s4] =	ssyncset.done $0x0  }
0xa: {  	s6 =	sadd.s32 s6, s7;
	s7 =	simm.s32 $0x200;
	[sflag:s4] =	ssyncadd.s32 $0xFFFFFE00  }
0xb: {  	[tilespmem:s7], [sflag:$0x2] =	stream.linear.gather [hbm4b:s6+s3], $0x200, $0x38;
	[tilespmem:$0x800] =	vst v63  }
0xc: {  	_ =	swait.ge [sflag:s4], $0x200  }
0xd: {  	[sflag:s4] =	ssyncset.done $0x0  }
0xe: {  	s8 =	simm.s32 $0x80;
	s9 =	simm.s32 $0x400;
	[sflag:s4] =	ssyncadd.s32 $0xFFFFFE00  }
0xf: {  	[tilespmem:s9], [sflag:$0x1] =	stream.indirect.gather [hbm4b:s1+s8], $0x1, s3, s8, $0xb8;
	[tilespmem:$0x800] =	vst v63  }
0x10: {  	s10 =	simm.s32 $0x600  }
0x11: {  	[tilespmem:s10], [sflag:$0x1] =	stream.indirect.gather [hbm4b:s1+s8], $0x1, s7, s8, $0xb8;
	[tilespmem:$0x800] =	vst v63  }
0x12: {  	s11 =	simm.s32 $0x480  }
0x13: {  	[tilespmem:s11], [sflag:$0x1] =	stream.indirect.gather [hbm4b:s1+s8], $0x1, s8, s8, $0xb8;
	[tilespmem:$0x800] =	vst v63  }
0x14: {  	s12 =	simm.s32 $0x280;
	s13 =	simm.s32 $0x680  }
0x15: {  	[tilespmem:s13], [sflag:$0x1] =	stream.indirect.gather [hbm4b:s1+s8], $0x1, s12, s8, $0xb8;
	[tilespmem:$0x800] =	vst v63  }
0x16: {  	s14 =	simm.s32 $0x100;
	s15 =	simm.s32 $0x500  }
0x17: {  	[tilespmem:s15], [sflag:$0x1] =	stream.indirect.gather [hbm4b:s1+s8], $0x1, s14, s8, $0xb8;
	[tilespmem:$0x800] =	vst v63  }
0x18: {  	s16 =	simm.s32 $0x300;
	s17 =	simm.s32 $0x700  }
0x19: {  	[tilespmem:s17], [sflag:$0x1] =	stream.indirect.gather [hbm4b:s1+s8], $0x1, s16, s8, $0xb8;
	[tilespmem:$0x800] =	vst v63  }
0x1a: {  	s18 =	simm.s32 $0x180;
	s19 =	simm.s32 $0x580  }
0x1b: {  	[tilespmem:s19], [sflag:$0x1] =	stream.indirect.gather [hbm4b:s1+s8], $0x1, s18, s8, $0xb8;
	[tilespmem:$0x800] =	vst v63  }
0x1c: {  	s20 =	simm.s32 $0x380;
	s21 =	simm.s32 $0x780;
	s22 =	simm.s32 $0x1  }
0x1d: {  	[tilespmem:s21], [sflag:$0x1] =	stream.indirect.gather [hbm4b:s1+s8], $0x1, s20, s8, $0xb8;
	[tilespmem:$0x800] =	vst v63  }
0x1e: {  	_ =	swait.ge [sflag:s22], $0x80  }
0x1f: {  	[sflag:s22] =	ssyncset.done $0x0  }
0x20: {  	[sflag:s22] =	ssyncadd.s32 $0xFFFFFF80  }
0x21: {  	_ =	swait.ge [sflag:s22], $0x80  }
0x22: {  	[sflag:s22] =	ssyncset.done $0x0  }
0x23: {  	[sflag:s22] =	ssyncadd.s32 $0xFFFFFF80  }
0x24: {  	_ =	swait.ge [sflag:s22], $0x80  }
0x25: {  	[sflag:s22] =	ssyncset.done $0x0  }
0x26: {  	[sflag:s22] =	ssyncadd.s32 $0xFFFFFF80  }
0x27: {  	_ =	swait.ge [sflag:s22], $0x80  }
0x28: {  	[sflag:s22] =	ssyncset.done $0x0  }
0x29: {  	[sflag:s22] =	ssyncadd.s32 $0xFFFFFF80  }
0x2a: {  	_ =	swait.ge [sflag:s22], $0x80  }
0x2b: {  	[sflag:s22] =	ssyncset.done $0x0  }
0x2c: {  	[sflag:s22] =	ssyncadd.s32 $0xFFFFFF80  }
0x2d: {  	_ =	swait.ge [sflag:s22], $0x80  }
0x2e: {  	[sflag:s22] =	ssyncset.done $0x0  }
0x2f: {  	[sflag:s22] =	ssyncadd.s32 $0xFFFFFF80  }
0x30: {  	_ =	swait.ge [sflag:s22], $0x80  }
0x31: {  	[sflag:s22] =	ssyncset.done $0x0  }
0x32: {  	s25 =	ssub.s32 $0x2, s23;
	[sflag:s22] =	ssyncadd.s32 $0xFFFFFF80  }
0x33: {  	s26 =	sshrl.u32 s25, $0x1;
	_ =	swait.ge [sflag:s22], $0x80  }
0x34: {  	s25 =	ssub.s32 s25, s26;
	[sflag:s22] =	ssyncset.done $0x0  }
0x35: {  	s23 =	sadd.s32 $0x2600, s24;
	s25 =	smax.u32 s25, $0x1;
	[sflag:s22] =	ssyncadd.s32 $0xFFFFFF80  }
0x36: {  	[hbm4b:s23+s3] =	stream.linear.scatter [tilespmem:s9], [sflag:$0x2], $0x200, $0x38;
	[tilespmem:$0x800] =	vst v63  }
0x37: {  	p0 =	sne.s32 s25, $0x1;
	_ =	swait.ge [sflag:s4], $0x200  }
.Ltmp0:
0x38: {  	[sflag:s4] =	ssyncset.done $0x0;
	(pc) =	sbr.rel @!p0 .LBB2_2-.Ltmp0, $4  }
0x39: {  	s24 =	sadd.s32 $0x2E00, s24;
	[sflag:s4] =	ssyncadd.s32 $0xFFFFFE00  }
0x3a: {  	[hbm4b:s24+s3] =	stream.linear.scatter [tilespmem:s10], [sflag:$0x2], $0x200, $0x38;
	[tilespmem:$0x800] =	vst v63  }
0x3b: {  	_ =	swait.ge [sflag:s4], $0x200  }
0x3c: {  	s25 =	sadd.s32 $0xFFFFFFFF, s25;
	[sflag:s4] =	ssyncset.done $0x0  }
.LBB2_1:
0x3d: {  	p0 =	sne.s32 s25, $0x1;
	s25 =	sadd.s32 $0xFFFFFFFF, s25;
	[sflag:s4] =	ssyncadd.s32 $0xFFFFFE00  }
0x3e: {  	[tilespmem:s3], [sflag:$0x2] =	stream.linear.gather [hbm4b:s5+s3], $0x200, $0x38;
	[tilespmem:$0x800] =	vst v63  }
0x3f: {  	_ =	swait.ge [sflag:s4], $0x200  }
0x40: {  	[sflag:s4] =	ssyncset.done $0x0  }
0x41: {  	[sflag:s4] =	ssyncadd.s32 $0xFFFFFE00  }
0x42: {  	[tilespmem:s7], [sflag:$0x2] =	stream.linear.gather [hbm4b:s6+s3], $0x200, $0x38;
	[tilespmem:$0x800] =	vst v63  }
0x43: {  	_ =	swait.ge [sflag:s4], $0x200  }
0x44: {  	[sflag:s4] =	ssyncset.done $0x0  }
0x45: {  	[sflag:s4] =	ssyncadd.s32 $0xFFFFFE00  }
0x46: {  	[tilespmem:s9], [sflag:$0x1] =	stream.indirect.gather [hbm4b:s1+s8], $0x1, s3, s8, $0xb8;
	[tilespmem:$0x800] =	vst v63  }
0x47: {  	_ = 	snop  }
0x48: {  	[tilespmem:s10], [sflag:$0x1] =	stream.indirect.gather [hbm4b:s1+s8], $0x1, s7, s8, $0xb8;
	[tilespmem:$0x800] =	vst v63  }
0x49: {  	_ = 	snop  }
0x4a: {  	[tilespmem:s11], [sflag:$0x1] =	stream.indirect.gather [hbm4b:s1+s8], $0x1, s8, s8, $0xb8;
	[tilespmem:$0x800] =	vst v63  }
0x4b: {  	_ = 	snop  }
0x4c: {  	[tilespmem:s13], [sflag:$0x1] =	stream.indirect.gather [hbm4b:s1+s8], $0x1, s12, s8, $0xb8;
	[tilespmem:$0x800] =	vst v63  }
0x4d: {  	_ = 	snop  }
0x4e: {  	[tilespmem:s15], [sflag:$0x1] =	stream.indirect.gather [hbm4b:s1+s8], $0x1, s14, s8, $0xb8;
	[tilespmem:$0x800] =	vst v63  }
0x4f: {  	_ = 	snop  }
0x50: {  	[tilespmem:s17], [sflag:$0x1] =	stream.indirect.gather [hbm4b:s1+s8], $0x1, s16, s8, $0xb8;
	[tilespmem:$0x800] =	vst v63  }
0x51: {  	_ = 	snop  }
0x52: {  	[tilespmem:s19], [sflag:$0x1] =	stream.indirect.gather [hbm4b:s1+s8], $0x1, s18, s8, $0xb8;
	[tilespmem:$0x800] =	vst v63  }
0x53: {  	_ = 	snop  }
0x54: {  	[tilespmem:s21], [sflag:$0x1] =	stream.indirect.gather [hbm4b:s1+s8], $0x1, s20, s8, $0xb8;
	[tilespmem:$0x800] =	vst v63  }
0x55: {  	_ =	swait.ge [sflag:s22], $0x80  }
0x56: {  	[sflag:s22] =	ssyncset.done $0x0  }
0x57: {  	[sflag:s22] =	ssyncadd.s32 $0xFFFFFF80  }
0x58: {  	_ =	swait.ge [sflag:s22], $0x80  }
0x59: {  	[sflag:s22] =	ssyncset.done $0x0  }
0x5a: {  	[sflag:s22] =	ssyncadd.s32 $0xFFFFFF80  }
0x5b: {  	_ =	swait.ge [sflag:s22], $0x80  }
0x5c: {  	[sflag:s22] =	ssyncset.done $0x0  }
0x5d: {  	[sflag:s22] =	ssyncadd.s32 $0xFFFFFF80  }
0x5e: {  	_ =	swait.ge [sflag:s22], $0x80  }
0x5f: {  	[sflag:s22] =	ssyncset.done $0x0  }
0x60: {  	[sflag:s22] =	ssyncadd.s32 $0xFFFFFF80  }
0x61: {  	_ =	swait.ge [sflag:s22], $0x80  }
0x62: {  	[sflag:s22] =	ssyncset.done $0x0  }
0x63: {  	[sflag:s22] =	ssyncadd.s32 $0xFFFFFF80  }
0x64: {  	_ =	swait.ge [sflag:s22], $0x80  }
0x65: {  	[sflag:s22] =	ssyncset.done $0x0  }
0x66: {  	[sflag:s22] =	ssyncadd.s32 $0xFFFFFF80  }
0x67: {  	_ =	swait.ge [sflag:s22], $0x80  }
0x68: {  	[sflag:s22] =	ssyncset.done $0x0  }
0x69: {  	[sflag:s22] =	ssyncadd.s32 $0xFFFFFF80  }
0x6a: {  	_ =	swait.ge [sflag:s22], $0x80  }
0x6b: {  	[sflag:s22] =	ssyncset.done $0x0  }
0x6c: {  	[sflag:s22] =	ssyncadd.s32 $0xFFFFFF80  }
0x6d: {  	[hbm4b:s23+s3] =	stream.linear.scatter [tilespmem:s9], [sflag:$0x2], $0x200, $0x38;
	[tilespmem:$0x800] =	vst v63  }
0x6e: {  	_ =	swait.ge [sflag:s4], $0x200  }
.Ltmp1:
0x6f: {  	[sflag:s4] =	ssyncset.done $0x0;
	(pc) =	sbr.rel @p0 .LBB2_1-.Ltmp1, $4  }
0x70: {  	[sflag:s4] =	ssyncadd.s32 $0xFFFFFE00  }
0x71: {  	[hbm4b:s24+s3] =	stream.linear.scatter [tilespmem:s10], [sflag:$0x2], $0x200, $0x38;
	[tilespmem:$0x800] =	vst v63  }
0x72: {  	_ =	swait.ge [sflag:s4], $0x200  }
0x73: {  	[sflag:s4] =	ssyncset.done $0x0  }
.LBB2_2:
0x74: {  	[sflag:s4] =	ssyncadd.s32 $0xFFFFFE00  }
0x75: {  	_ =	sfence.sel $0x180000  }
0x76: {  	[bflag:$0x0] =	sbarrier.arrive $0xFFFF  }
0x77: {  	p0 =	sne.s32 s0, $0x0;
	_ =	strace $0x90000047  }
0x78: {  	s0 =	sadd.s32 @!p0 $0x100000, s2;
	[bflag:$0x2] =	sbarrier.arrive $0xFFFF  }
0x79: {  	[sflag:s0] =	ssyncadd.tile.s32 @!p0 $0x1;
	_ =	shalt  }
.Lfunc_end2:
_tile_overlayer_lowered:
.L_overlay_start_2:
0x7a: {  	(tag) =	ssettag $0x2  }
0x7b: {  	s0 =	rddreg [dreg:$0x0];
	s2 =	stileid.u32  }
0x7c: {  	s1 =	rddreg [dreg:$0x1];
	p0 =	sne.s32 s2, $0x0  }
0x7d: {  	s3 =	rddreg [dreg:$0x2];
	[bflag:$0x3] =	sbarrier.arrive $0xFFFF;
	s2 =	simm.s32 @!p0 $0x1C02  }
0x7e: {  	[timem:s3], [sflag:s2] =	dma.local @!p0 [hbm:s0], s1  }
0x7f: {  	s0 =	simm.s32 @!p0 $0x2  }
0x80: {  	_ =	swait.ge @!p0 [sflag:s0], s1  }
0x81: {  	s1 =	ssub.s32 @!p0 $0x0, s1;
	[sflag:s0] =	ssyncset.done @!p0 $0x0  }
0x82: {  	[sflag:s0] =	ssyncadd.s32 @!p0 s1  }
0x83: {  	[bflag:$0x3] =	sbarrier.arrive $0xFFFF  }
0x84: {  	_ =	shalt  }

// kernel: kernel.9.cloned.1.call-start
scs
__scs_entry_jumppad:
0x0: {  	(pc) =	sbr.rel $0x88, $3  }
0x1: {  	(tag) =	ssettag $0x0;
	lr =	simm.s32 $0x1  }
0x2: {  	[smem:$0x3F99] =	sst lr;
	_ =	strace $0xD0000000  }
0x3: {  	_ = 	snop  }
0x4: {  	_ = 	snop  }
0x5: {  	_ = 	snop  }
0x6: {  	_ = 	snop  }
0x7: {  	_ = 	snop  }
__scs_overlays_trampoline_lowered:
0x8: {  	[smem:$0x3FA8] =	sst s0  }
0x9: {  	[smem:$0x3FA9] =	sst s1  }
0xa: {  	[smem:$0x3FAA] =	sst s2  }
0xb: {  	[smem:$0x3FAB] =	sst s3  }
0xc: {  	[smem:$0x3FAC] =	sst s4  }
0xd: {  	[smem:$0x3FAD] =	sst s5  }
0xe: {  	[smem:$0x3FAE] =	sst s6  }
0xf: {  	[smem:$0x3FAF] =	sst s7  }
0x10: {  	[smem:$0x3FB0] =	sst s8  }
0x11: {  	[smem:$0x3FB1] =	sst s9;
	s0 =	simm.s32 @!p0 $0x0  }
0x12: {  	s1 =	sld [smem:$0x3F97];
	s0 =	simm.s32 @p0 $0x1  }
0x13: {  	[smem:$0x3FB2] =	sst s0;
	s0 =	simm.s32 @!p1 $0x0  }
0x14: {  	s2 =	sld [smem:$0x3F96];
	s0 =	simm.s32 @p1 $0x1  }
0x15: {  	[smem:$0x3FB3] =	sst s0;
	s0 =	simm.s32 @!p2 $0x0  }
0x16: {  	s3 =	sld [smem:$0x3FDB];
	s0 =	simm.s32 @p2 $0x1  }
0x17: {  	s4 =	simm.s32 $0x1BF5;
	[smem:$0x3FB5] =	sst s0  }
0x18: {  	s0 =	sld [smem:$0x3F98];
	_ =	swait.ge [sflag:s4], $0x0  }
0x19: {  	s7 =	sld [smem:$0x3F99]  }
0x1a: {  	s8 =	sadd.s32 $0xFFFFE003, lr  }
0x1b: {  	s9 =	sadd.s32 $0xFFFFFEF7, lr;
	s5 =	simm.s32 $0xFFFFFFFF;
	p2 =	slt.u32 s8, $0xFFFFF086  }
0x1c: {  	p1 =	slt.u32 s9, $0xF7A;
	s5 =	simm.s32 @!p2 $0x0  }
0x1d: {  	s5 =	simm.s32 @p1 $0x1;
	p0 =	seq.s32 s7, s2  }
0x1e: {  	s7 =	smul.u32 @!p0 $0xF7A, s2;
	p2 =	seq.s32 @!p0 s5, $0x0  }
0x1f: {  	s9 =	smul.u32 $0xF7A, s1;
	s8 =	simm.s32 @!p0 $0x1BF5;
	p2 =	por !p2, p0  }
0x20: {  	[sflag:s8] =	ssyncset.s32 @!p0 $0xFFFFF086;
	s6 =	sadd.s32 @!p0 s3, s7;
	s7 =	simm.s32 @!p0 $0x108  }
0x21: {  	s3 =	sadd.s32 s3, s9;
	s6 =	sadd.s32 @!p0 $0x88, s6;
	s7 =	simm.s32 @p2 $0x1082  }
0x22: {  	[simem:s7], [sflag:s8] =	dma.local @!p0 [hbm:s6], $0xF7A  }
0x23: {  	s9 =	sor.u32 $0xD0000000, s2;
	s6 =	simm.s32 $0x108;
	_ =	swait.ge @!p0 [sflag:s8], $0x0  }
0x24: {  	s3 =	sadd.s32 $0x88, s3;
	s6 =	simm.s32 @!p1 $0x1082;
	[sflag:s4] =	ssyncset.s32 $0xFFFFF086  }
0x25: {  	[simem:s6], [sflag:s4] =	dma.local [hbm:s3], $0xF7A  }
0x26: {  	[smem:$0x3F99] =	sst s1;
	(tag) =	ssettag s2;
	_ =	strace s9  }
0x27: {  	s1 =	sld [smem:$0x3FA9]  }
0x28: {  	s2 =	sld [smem:$0x3FAA]  }
0x29: {  	s4 =	sld [smem:$0x3FAC]  }
0x2a: {  	p0 =	seq.s32 s5, $0x0;
	s5 =	sld [smem:$0x3FAD]  }
0x2b: {  	s6 =	sld [smem:$0x3FAE]  }
0x2c: {  	s7 =	sld [smem:$0x3FAF]  }
0x2d: {  	s3 =	simm.s32 $0x108;
	s8 =	sld [smem:$0x3FB0]  }
0x2e: {  	s3 =	simm.s32 @!p0 $0x1082;
	s9 =	sld [smem:$0x3FB1]  }
0x2f: {  	lr =	sadd.s32 s0, s3;
	s0 =	sld [smem:$0x3FA8]  }
0x30: {  	s3 =	sld [smem:$0x3FAB]  }
0x31: {  	[smem:$0x3FB4] =	sst s10  }
0x32: {  	s10 =	sld [smem:$0x3FB2];
	_ =	sdelay $0x3  }
0x33: {  	p0 =	seq.s32 s10, $0x1;
	s10 =	sld [smem:$0x3FB4];
	_ =	sdelay $0x3  }
0x34: {  	[smem:$0x3FB4] =	sst s10  }
0x35: {  	s10 =	sld [smem:$0x3FB3];
	_ =	sdelay $0x3  }
0x36: {  	p1 =	seq.s32 s10, $0x1;
	s10 =	sld [smem:$0x3FB4];
	_ =	sdelay $0x3  }
0x37: {  	[smem:$0x3FB4] =	sst s10  }
0x38: {  	s10 =	sld [smem:$0x3FB5]  }
0x39: {  	_ = 	snop;
	(pc) =	sbr.ind lr, $3  }
0x3a: {  	_ = 	snop  }
0x3b: {  	_ = 	snop  }
0x3c: {  	p2 =	seq.s32 s10, $0x1;
	s10 =	sld [smem:$0x3FB4]  }
0x3d: {  	_ =	shalt  }
0x3e: {  	_ =	shalt  }
0x3f: {  	_ =	shalt  }
0x40: {  	_ =	shalt  }
0x41: {  	_ =	shalt  }
0x42: {  	_ =	shalt  }
0x43: {  	_ =	shalt  }
0x44: {  	_ =	shalt  }
0x45: {  	_ =	shalt  }
0x46: {  	_ =	shalt  }
0x47: {  	_ =	shalt  }
0x48: {  	_ =	shalt  }
0x49: {  	_ =	shalt  }
0x4a: {  	_ =	shalt  }
0x4b: {  	_ =	shalt  }
0x4c: {  	_ =	shalt  }
0x4d: {  	_ =	shalt  }
0x4e: {  	_ =	shalt  }
0x4f: {  	_ =	shalt  }
0x50: {  	_ =	shalt  }
0x51: {  	_ =	shalt  }
0x52: {  	_ =	shalt  }
0x53: {  	_ =	shalt  }
0x54: {  	_ =	shalt  }
0x55: {  	_ =	shalt  }
0x56: {  	_ =	shalt  }
0x57: {  	_ =	shalt  }
0x58: {  	_ =	shalt  }
0x59: {  	_ =	shalt  }
0x5a: {  	_ =	shalt  }
0x5b: {  	_ =	shalt  }
0x5c: {  	_ =	shalt  }
0x5d: {  	_ =	shalt  }
0x5e: {  	_ =	shalt  }
0x5f: {  	_ =	shalt  }
0x60: {  	_ =	shalt  }
0x61: {  	_ =	shalt  }
0x62: {  	_ =	shalt  }
0x63: {  	_ =	shalt  }
0x64: {  	_ =	shalt  }
0x65: {  	_ =	shalt  }
0x66: {  	_ =	shalt  }
0x67: {  	_ =	shalt  }
0x68: {  	_ =	shalt  }
0x69: {  	_ =	shalt  }
0x6a: {  	_ =	shalt  }
0x6b: {  	_ =	shalt  }
0x6c: {  	_ =	shalt  }
0x6d: {  	_ =	shalt  }
0x6e: {  	_ =	shalt  }
0x6f: {  	_ =	shalt  }
0x70: {  	_ =	shalt  }
0x71: {  	_ =	shalt  }
0x72: {  	_ =	shalt  }
0x73: {  	_ =	shalt  }
0x74: {  	_ =	shalt  }
0x75: {  	_ =	shalt  }
0x76: {  	_ =	shalt  }
0x77: {  	_ =	shalt  }
0x78: {  	_ =	shalt  }
0x79: {  	_ =	shalt  }
0x7a: {  	_ =	shalt  }
0x7b: {  	_ =	shalt  }
0x7c: {  	_ =	shalt  }
0x7d: {  	_ =	shalt  }
0x7e: {  	_ =	shalt  }
0x7f: {  	_ =	shalt  }
0x80: {  	_ =	shalt  }
0x81: {  	_ =	shalt  }
0x82: {  	_ =	shalt  }
0x83: {  	_ =	shalt  }
0x84: {  	_ =	shalt  }
0x85: {  	_ =	shalt  }
0x86: {  	_ =	shalt  }
0x87: {  	_ =	shalt  }
.Lfunc_end0:
.L_simem_size_0:
called_computation.1_lowered:
.L_overlay_start_0:
0x88: {  	s2 =	sld [smem:$0x3FD9]  }
0x89: {  	s3 =	sld [smem:$0x3FFE];
	_ =	sdelay $0x1  }
0x8a: {  	s1 =	srdreg.scid  }
0x8b: {  	s0 =	sand.u32 $0x1, s1  }
0x8c: {  	s16 =	sshll.u32 s0, $0xA;
	s2 =	sadd.s32 s3, s2  }
0x8d: {  	s2 =	sadd.s32 s2, s16  }
0x8e: {  	[smem:$0x3FC0] =	sst s2  }
0x8f: {  	_ = 	snop  }
0x90: {  	(tm) =	ssettm $0x1  }
0x91: {  	s17 =	sld [smem:$0x3FFB];
	_ =	sdelay $0x3  }
0x92: {  	_ =	strace s17  }
0x93: {  	s2 =	sld [smem:$0x3FFC];
	_ =	sdelay $0x3  }
0x94: {  	_ =	strace s2  }
0x95: {  	s2 =	sld [smem:$0x3FFD];
	_ =	sdelay $0x3  }
0x96: {  	_ =	strace s2  }
0x97: {  	_ =	strace $0x8FFFFFFF  }
0x98: {  	s18 =	sld [smem:$0x3FDB];
	_ =	sdelay $0x1  }
0x99: {  	s19 =	simm.s32 $_scs_section_size  }
0x9a: {  	s4 =	simm.s32 $_size__tile_overlayer_lowered;
	s5 =	simm.s32 $_tile_overlayer_lowered  }
0x9b: {  	s22 =	simm.s32 $0x1BFF;
	s21 =	sshll.u32 s5, $0x1;
	s2 =	sadd.s32 s19, s18  }
0x9c: {  	s6 =	simm.s32 $0x0;
	s20 =	sshll.u32 s4, $0x1;
	s4 =	sadd.s32 s21, s2  }
0x9d: {  	[timem:s6], [sflag:s22] =	dma.local [hbm:s4], s20  }
0x9e: {  	_ =	swait.ge [sflag:s22], s20  }
0x9f: {  	s3 =	ssub.s32 $0x0, s20;
	[sflag:s22] =	ssyncset.done $0x0  }
0xa0: {  	[sflag:s22] =	ssyncadd.s32 s3;
	_ =	sdelay $0x1  }
0xa1: {  	s23 =	simm.s32 $0x1B8B  }
0xa2: {  	_ =	swait.ge [sflag:s23], $0x1  }
0xa3: {  	[sflag:s23] =	ssyncset.done $0x0  }
0xa4: {  	s25 =	simm.s32 $0x1B8E;
	s24 =	sld [smem:$0x3FFE];
	[sflag:s23] =	ssyncadd.s32 $0xFFFFFFFF  }
0xa5: {  	s26 =	simm.s32 $execute0_lowered;
	[smem:$0x3FD2] =	sst s25  }
0xa6: {  	s4 =	sshll.u32 s26, $0x1;
	_ =	strace $0x80000049;
	[dreg:$0x1] =	wrdreg $0xFFFFFFFF  }
0xa7: {  	s28 =	simm.s32 $_size_execute0_lowered;
	s2 =	sadd.s32 s2, s4;
	[dreg:$0x0] =	wrdreg $0x0  }
0xa8: {  	s4 =	sshll.u32 s28, $0x1;
	[dreg:$0x2] =	wrdreg s2  }
0xa9: {  	[dreg:$0x3] =	wrdreg s4  }
0xaa: {  	[dreg:$0x4] =	wrdreg $0xC0  }
0xab: {  	_ =	task [dreg:s6], $0x5FFFF  }
0xac: {  	[dreg:$0x1] =	wrdreg $0xFFFFFFFF  }
0xad: {  	[dreg:$0x0] =	wrdreg $0x60  }
0xae: {  	[dreg:$0x2] =	wrdreg s24  }
0xaf: {  	[dreg:$0x3] =	wrdreg $0x9  }
0xb0: {  	_ =	task.clear_ibuf [dreg:s6], $0x4FFFF;
	_ =	strace $0x90000049  }
0xb1: {  	s29 =	simm.s32 $0x9;
	_ =	strace $0x8000004B  }
0xb2: {  	_ =	swait.ge [sflag:s29], $0x1  }
0xb3: {  	[sflag:s29] =	ssyncadd.s32 $0xFFFFFFFF  }
0xb4: {  	_ =	strace $0x9000004B  }
0xb5: {  	_ =	sfence  }
0xb6: {  	s30 =	sld [smem:$0x0];
	_ =	sdelay $0x2  }
0xb7: {  	s31 =	sshll.u32 s1, $0xD;
	s1 =	sshrl.u32 s1, $0x2  }
0xb8: {  	s3 =	sand.u32 $0x4000, s31;
	s1 =	sadd.s32 s1, s30  }
0xb9: {  	s0 =	sor.u32 s3, s0;
	s1 =	sshll.u32 s1, $0x11  }
0xba: {  	s0 =	sor.u32 s1, s0  }
0xbb: {  	s0 =	sadd.s32 $0x8F2B, s0  }
0xbc: {  	[sflag:s0] =	ssyncadd.remote.s32 $0x1  }
0xbd: {  	_ =	sfence.sel $0xFFFF  }
0xbe: {  	[dreg:$0x0] =	wrdreg $0xFFFFFFFF;
	(pc) =	sbr.abs _section_cstart, $3  }
0xbf: {  	[dreg:$0x1] =	wrdreg $0xFFFFFFFF  }
0xc0: {  	_ =	task.clear_ibuf [dreg:s6], $0x2FFFF;
	_ =	strace $0x9FFFFFFF  }
0xc1: {  	(tm) =	ssettm $0x7FFFFFFF  }
tec
execute0_lowered:
.L_overlay_start_1:
0x0: {  	(tag) =	ssettag $0x1  }
0x1: {  	s1 =	srdreg.scid;
	s0 =	stileid.u32  }
0x2: {  	s20 =	sand.u32 $0x1, s1;
	s30 =	sshll.u32 s0, $0x1  }
0x3: {  	s16 =	rddreg [dreg:$0x0];
	s17 =	sor.u32 s20, s30  }
0x4: {  	s2 =	simm.s32 $0x0;
	s1 =	rddreg [dreg:$0x1];
	s3 =	sshll.u32 s17, $0x6  }
0x5: {  	[smem:$0x7FF] =	sst s2;
	s5 =	sadd.s32 s3, s16  }
0x6: {  	_ =	strace $0x8000004A;
	s3 =	simm.s32 $0x2;
	s4 =	sadd.s32 $0x2600, s5  }
0x7: {  	[tilespmem:s2], [sflag:$0x2] =	stream.linear.gather [hbm4b:s4+s2], $0x200, $0x38;
	[tilespmem:$0x10400] =	vst v63  }
0x8: {  	_ =	swait.ge [sflag:s3], $0x200  }
0x9: {  	[sflag:s3] =	ssyncset.done $0x0  }
0xa: {  	s6 =	simm.s32 $0x200;
	s5 =	sadd.s32 $0x2E00, s5;
	[sflag:s3] =	ssyncadd.s32 $0xFFFFFE00  }
0xb: {  	[tilespmem:s6], [sflag:$0x2] =	stream.linear.gather [hbm4b:s5+s2], $0x200, $0x38;
	[tilespmem:$0x10400] =	vst v63  }
0xc: {  	_ =	swait.ge [sflag:s3], $0x200  }
0xd: {  	s8 =	simm.s32 $0x80;
	[sflag:s3] =	ssyncset.done $0x0  }
0xe: {  	s9 =	simm.s32 $0x400;
	s7 =	sadd.s32 $0x3600, s16;
	[sflag:s3] =	ssyncadd.s32 $0xFFFFFE00  }
0xf: {  	[tilespmem:s9], [sflag:$0x1] =	stream.indirect.gather [hbm4b:s7+s8], $0x80, s2, s8, $0xb8;
	[tilespmem:$0x10400] =	vst v63  }
0x10: {  	s10 =	simm.s32 $0x4400  }
0x11: {  	[tilespmem:s10], [sflag:$0x1] =	stream.indirect.gather [hbm4b:s7+s8], $0x80, s8, s8, $0xb8;
	[tilespmem:$0x10400] =	vst v63  }
0x12: {  	s11 =	simm.s32 $0x100;
	s12 =	simm.s32 $0x8400  }
0x13: {  	[tilespmem:s12], [sflag:$0x1] =	stream.indirect.gather [hbm4b:s7+s8], $0x80, s11, s8, $0xb8;
	[tilespmem:$0x10400] =	vst v63  }
0x14: {  	s13 =	simm.s32 $0x180;
	s14 =	simm.s32 $0xC400;
	s15 =	simm.s32 $0x1  }
0x15: {  	[tilespmem:s14], [sflag:$0x1] =	stream.indirect.gather [hbm4b:s7+s8], $0x80, s13, s8, $0xb8;
	[tilespmem:$0x10400] =	vst v63  }
0x16: {  	_ =	swait.ge [sflag:s15], $0x4000  }
0x17: {  	[sflag:s15] =	ssyncset.done $0x0  }
0x18: {  	[sflag:s15] =	ssyncadd.s32 $0xFFFFC000  }
0x19: {  	_ =	swait.ge [sflag:s15], $0x4000  }
0x1a: {  	[sflag:s15] =	ssyncset.done $0x0  }
0x1b: {  	[sflag:s15] =	ssyncadd.s32 $0xFFFFC000  }
0x1c: {  	_ =	swait.ge [sflag:s15], $0x4000  }
0x1d: {  	[sflag:s15] =	ssyncset.done $0x0  }
0x1e: {  	[sflag:s15] =	ssyncadd.s32 $0xFFFFC000  }
0x1f: {  	s17 =	sshll.u32 s17, $0xD;
	_ =	swait.ge [sflag:s15], $0x4000  }
0x20: {  	s21 =	sadd.s32 s17, s16;
	[sflag:s15] =	ssyncset.done $0x0  }
0x21: {  	s16 =	sadd.s32 $0x18A000, s21;
	[sflag:s15] =	ssyncadd.s32 $0xFFFFC000  }
0x22: {  	[hbm4b:s16+s2] =	stream.linear.scatter [tilespmem:s9], [sflag:$0x2], $0x10000, $0x38;
	[tilespmem:$0x10400] =	vst v63  }
0x23: {  	_ =	swait.ge [sflag:s3], $0x10000  }
0x24: {  	[sflag:s3] =	ssyncset.done $0x0  }
0x25: {  	[sflag:s3] =	ssyncadd.s32 $0xFFFF0000  }
0x26: {  	[tilespmem:s9], [sflag:$0x1] =	stream.indirect.gather [hbm4b:s7+s8], $0x80, s6, s8, $0xb8;
	[tilespmem:$0x10400] =	vst v63  }
0x27: {  	s17 =	simm.s32 $0x280  }
0x28: {  	[tilespmem:s10], [sflag:$0x1] =	stream.indirect.gather [hbm4b:s7+s8], $0x80, s17, s8, $0xb8;
	[tilespmem:$0x10400] =	vst v63  }
0x29: {  	s18 =	simm.s32 $0x300  }
0x2a: {  	[tilespmem:s12], [sflag:$0x1] =	stream.indirect.gather [hbm4b:s7+s8], $0x80, s18, s8, $0xb8;
	[tilespmem:$0x10400] =	vst v63  }
0x2b: {  	s19 =	simm.s32 $0x380  }
0x2c: {  	[tilespmem:s14], [sflag:$0x1] =	stream.indirect.gather [hbm4b:s7+s8], $0x80, s19, s8, $0xb8;
	[tilespmem:$0x10400] =	vst v63  }
0x2d: {  	_ =	swait.ge [sflag:s15], $0x4000  }
0x2e: {  	[sflag:s15] =	ssyncset.done $0x0  }
0x2f: {  	[sflag:s15] =	ssyncadd.s32 $0xFFFFC000  }
0x30: {  	_ =	swait.ge [sflag:s15], $0x4000  }
0x31: {  	[sflag:s15] =	ssyncset.done $0x0  }
0x32: {  	s20 =	ssub.s32 $0x2, s20;
	[sflag:s15] =	ssyncadd.s32 $0xFFFFC000  }
0x33: {  	s22 =	sshrl.u32 s20, $0x1;
	_ =	swait.ge [sflag:s15], $0x4000  }
0x34: {  	s22 =	ssub.s32 s20, s22;
	[sflag:s15] =	ssyncset.done $0x0  }
0x35: {  	s31 =	smax.u32 s22, $0x1;
	[sflag:s15] =	ssyncadd.s32 $0xFFFFC000  }
0x36: {  	p0 =	sne.s32 s31, $0x1;
	_ =	swait.ge [sflag:s15], $0x4000  }
.Ltmp0:
0x37: {  	[sflag:s15] =	ssyncset.done $0x0;
	(pc) =	sbr.rel @!p0 .LBB2_2-.Ltmp0, $4  }
0x38: {  	s20 =	sadd.s32 $0x1CA000, s21;
	[sflag:s15] =	ssyncadd.s32 $0xFFFFC000  }
0x39: {  	[hbm4b:s20+s2] =	stream.linear.scatter [tilespmem:s9], [sflag:$0x2], $0x10000, $0x38;
	[tilespmem:$0x10400] =	vst v63  }
0x3a: {  	_ =	swait.ge [sflag:s3], $0x10000  }
0x3b: {  	s21 =	sadd.s32 $0xFFFFFFFF, s31;
	[sflag:s3] =	ssyncset.done $0x0  }
.LBB2_1:
0x3c: {  	p0 =	sne.s32 s21, $0x1;
	s21 =	sadd.s32 $0xFFFFFFFF, s21;
	[sflag:s3] =	ssyncadd.s32 $0xFFFF0000  }
0x3d: {  	[tilespmem:s2], [sflag:$0x2] =	stream.linear.gather [hbm4b:s4+s2], $0x200, $0x38;
	[tilespmem:$0x10400] =	vst v63  }
0x3e: {  	_ =	swait.ge [sflag:s3], $0x200  }
0x3f: {  	[sflag:s3] =	ssyncset.done $0x0  }
0x40: {  	[sflag:s3] =	ssyncadd.s32 $0xFFFFFE00  }
0x41: {  	[tilespmem:s6], [sflag:$0x2] =	stream.linear.gather [hbm4b:s5+s2], $0x200, $0x38;
	[tilespmem:$0x10400] =	vst v63  }
0x42: {  	_ =	swait.ge [sflag:s3], $0x200  }
0x43: {  	[sflag:s3] =	ssyncset.done $0x0  }
0x44: {  	[sflag:s3] =	ssyncadd.s32 $0xFFFFFE00  }
0x45: {  	[tilespmem:s9], [sflag:$0x1] =	stream.indirect.gather [hbm4b:s7+s8], $0x80, s2, s8, $0xb8;
	[tilespmem:$0x10400] =	vst v63  }
0x46: {  	_ = 	snop  }
0x47: {  	[tilespmem:s10], [sflag:$0x1] =	stream.indirect.gather [hbm4b:s7+s8], $0x80, s8, s8, $0xb8;
	[tilespmem:$0x10400] =	vst v63  }
0x48: {  	_ = 	snop  }
0x49: {  	[tilespmem:s12], [sflag:$0x1] =	stream.indirect.gather [hbm4b:s7+s8], $0x80, s11, s8, $0xb8;
	[tilespmem:$0x10400] =	vst v63  }
0x4a: {  	_ = 	snop  }
0x4b: {  	[tilespmem:s14], [sflag:$0x1] =	stream.indirect.gather [hbm4b:s7+s8], $0x80, s13, s8, $0xb8;
	[tilespmem:$0x10400] =	vst v63  }
0x4c: {  	_ =	swait.ge [sflag:s15], $0x4000  }
0x4d: {  	[sflag:s15] =	ssyncset.done $0x0  }
0x4e: {  	[sflag:s15] =	ssyncadd.s32 $0xFFFFC000  }
0x4f: {  	_ =	swait.ge [sflag:s15], $0x4000  }
0x50: {  	[sflag:s15] =	ssyncset.done $0x0  }
0x51: {  	[sflag:s15] =	ssyncadd.s32 $0xFFFFC000  }
0x52: {  	_ =	swait.ge [sflag:s15], $0x4000  }
0x53: {  	[sflag:s15] =	ssyncset.done $0x0  }
0x54: {  	[sflag:s15] =	ssyncadd.s32 $0xFFFFC000  }
0x55: {  	_ =	swait.ge [sflag:s15], $0x4000  }
0x56: {  	[sflag:s15] =	ssyncset.done $0x0  }
0x57: {  	[sflag:s15] =	ssyncadd.s32 $0xFFFFC000  }
0x58: {  	[hbm4b:s16+s2] =	stream.linear.scatter [tilespmem:s9], [sflag:$0x2], $0x10000, $0x38;
	[tilespmem:$0x10400] =	vst v63  }
0x59: {  	_ =	swait.ge [sflag:s3], $0x10000  }
0x5a: {  	[sflag:s3] =	ssyncset.done $0x0  }
0x5b: {  	[sflag:s3] =	ssyncadd.s32 $0xFFFF0000  }
0x5c: {  	[tilespmem:s9], [sflag:$0x1] =	stream.indirect.gather [hbm4b:s7+s8], $0x80, s6, s8, $0xb8;
	[tilespmem:$0x10400] =	vst v63  }
0x5d: {  	_ = 	snop  }
0x5e: {  	[tilespmem:s10], [sflag:$0x1] =	stream.indirect.gather [hbm4b:s7+s8], $0x80, s17, s8, $0xb8;
	[tilespmem:$0x10400] =	vst v63  }
0x5f: {  	_ = 	snop  }
0x60: {  	[tilespmem:s12], [sflag:$0x1] =	stream.indirect.gather [hbm4b:s7+s8], $0x80, s18, s8, $0xb8;
	[tilespmem:$0x10400] =	vst v63  }
0x61: {  	_ = 	snop  }
0x62: {  	[tilespmem:s14], [sflag:$0x1] =	stream.indirect.gather [hbm4b:s7+s8], $0x80, s19, s8, $0xb8;
	[tilespmem:$0x10400] =	vst v63  }
0x63: {  	_ =	swait.ge [sflag:s15], $0x4000  }
0x64: {  	[sflag:s15] =	ssyncset.done $0x0  }
0x65: {  	[sflag:s15] =	ssyncadd.s32 $0xFFFFC000  }
0x66: {  	_ =	swait.ge [sflag:s15], $0x4000  }
0x67: {  	[sflag:s15] =	ssyncset.done $0x0  }
0x68: {  	[sflag:s15] =	ssyncadd.s32 $0xFFFFC000  }
0x69: {  	_ =	swait.ge [sflag:s15], $0x4000  }
0x6a: {  	[sflag:s15] =	ssyncset.done $0x0  }
0x6b: {  	[sflag:s15] =	ssyncadd.s32 $0xFFFFC000  }
0x6c: {  	_ =	swait.ge [sflag:s15], $0x4000  }
.Ltmp1:
0x6d: {  	[sflag:s15] =	ssyncset.done $0x0;
	(pc) =	sbr.rel @p0 .LBB2_1-.Ltmp1, $4  }
0x6e: {  	[sflag:s15] =	ssyncadd.s32 $0xFFFFC000  }
0x6f: {  	[hbm4b:s20+s2] =	stream.linear.scatter [tilespmem:s9], [sflag:$0x2], $0x10000, $0x38;
	[tilespmem:$0x10400] =	vst v63  }
0x70: {  	_ =	swait.ge [sflag:s3], $0x10000  }
0x71: {  	[sflag:s3] =	ssyncset.done $0x0  }
.LBB2_2:
0x72: {  	[sflag:s3] =	ssyncadd.s32 $0xFFFF0000  }
0x73: {  	_ =	sfence.sel $0x180000  }
0x74: {  	[bflag:$0x0] =	sbarrier.arrive $0xFFFF  }
0x75: {  	p0 =	sne.s32 s0, $0x0;
	_ =	strace $0x9000004A  }
0x76: {  	s0 =	sadd.s32 @!p0 $0x100000, s1;
	[bflag:$0x2] =	sbarrier.arrive $0xFFFF  }
0x77: {  	[sflag:s0] =	ssyncadd.tile.s32 @!p0 $0x1;
	_ =	shalt  }
.Lfunc_end2:
_tile_overlayer_lowered:
.L_overlay_start_2:
0x78: {  	(tag) =	ssettag $0x2  }
0x79: {  	s0 =	rddreg [dreg:$0x0];
	s2 =	stileid.u32  }
0x7a: {  	s1 =	rddreg [dreg:$0x1];
	p0 =	sne.s32 s2, $0x0  }
0x7b: {  	s3 =	rddreg [dreg:$0x2];
	[bflag:$0x3] =	sbarrier.arrive $0xFFFF;
	s2 =	simm.s32 @!p0 $0x1C02  }
0x7c: {  	[timem:s3], [sflag:s2] =	dma.local @!p0 [hbm:s0], s1  }
0x7d: {  	s0 =	simm.s32 @!p0 $0x2  }
0x7e: {  	_ =	swait.ge @!p0 [sflag:s0], s1  }
0x7f: {  	s1 =	ssub.s32 @!p0 $0x0, s1;
	[sflag:s0] =	ssyncset.done @!p0 $0x0  }
0x80: {  	[sflag:s0] =	ssyncadd.s32 @!p0 s1  }
0x81: {  	[bflag:$0x3] =	sbarrier.arrive $0xFFFF  }
0x82: {  	_ =	shalt  }

</sc_bundles>
